<compile_context>
chip_gen: v7x
topology: tpu7x:2x2x1
jax: 0.10.2.dev20260603
libtpu: 0.0.44.dev20260713+nightly
codegen_flags: <defaults>
</compile_context>

<pallas_src>
import functools

import jax
import jax.numpy as jnp
from jax import lax
from jax.experimental import pallas as pl
from jax.experimental.pallas import tpu as pltpu
from jax.experimental.pallas import tpu_sc as plsc

_VOCAB = 256000
_HIDDEN = 2560
_NC = 2
_NS = 16
_NW = _NC * _NS
_B = 4 * 4096
_BPW = _B // _NW
_CH = 8
_NCH = _BPW // _CH
_NBUF = 4


@functools.partial(
    pl.kernel,
    out_type=jax.ShapeDtypeStruct((_B, _HIDDEN), jnp.float32),
    mesh=plsc.VectorSubcoreMesh(core_axis_name="c", subcore_axis_name="s"),
    scratch_types=(
        [pltpu.VMEM((_BPW,), jnp.int32)]
        + [pltpu.VMEM((_CH, _HIDDEN), jnp.float32)] * _NBUF
        + [pltpu.SemaphoreType.DMA] * _NBUF
    ),
)
def _emb_lookup(x_hbm, table_hbm, out_hbm, idx_v, *bufsems):
    bufs = bufsems[:_NBUF]
    sems = bufsems[_NBUF:]
    wid = lax.axis_index("s") * _NC + lax.axis_index("c")
    base = wid * _BPW
    pltpu.sync_copy(x_hbm.at[pl.ds(base, _BPW)], idx_v)

    def clamp_body(i, carry):
        s = pl.ds(i * 16, 16)
        idx_v[s] = jnp.minimum(jnp.maximum(idx_v[s], 0), _VOCAB - 1)
        return carry

    lax.fori_loop(0, _BPW // 16, clamp_body, 0)

    def start(c, b):
        pltpu.async_copy(table_hbm.at[idx_v.at[pl.ds(c * _CH, _CH)]],
                         bufs[b], sems[b])

    def wait(b):
        pltpu.make_async_copy(table_hbm.at[pl.ds(0, _CH)], bufs[b],
                              sems[b]).wait()

    for b in range(_NBUF):
        start(b, b)

    def body(i, carry):
        c0 = i * _NBUF
        for b in range(_NBUF):
            c = c0 + b
            wait(b)
            pltpu.sync_copy(bufs[b], out_hbm.at[pl.ds(base + c * _CH, _CH)])
            start(c + _NBUF, b)
        return carry

    lax.fori_loop(0, _NCH // _NBUF - 1, body, 0)

    for b in range(_NBUF):
        c = _NCH - _NBUF + b
        wait(b)
        pltpu.sync_copy(bufs[b], out_hbm.at[pl.ds(base + c * _CH, _CH)])


def kernel(x, table):
    out = _emb_lookup(x.reshape(-1).astype(jnp.int32), table)
    return out.reshape(x.shape + (table.shape[1],))

# --- scband reference (transcript-rebuilt; emitter-appended) ---
"""Pipeline reference for scband-dummy-embedding-78829829751298 (READ-ONLY COPY).

The authoritative reference and input builder live on the scoring server;
editing this copy changes nothing except your own understanding.
"""

import jax, jax.numpy as jnp
import numpy as np

VOCAB = 256000
HIDDEN = 2560

def setup_inputs(seed: int = 0) -> dict:
    key = jax.random.key(seed)
    k1, k2 = jax.random.split(key)
    x = jax.random.randint(k1, (4, 4096), 0, VOCAB, dtype=jnp.int64 if jax.config.jax_enable_x64 else jnp.int32)
    table = jax.random.normal(k2, (VOCAB, HIDDEN), dtype=jnp.float32) * 0.02
    return {"x": x, "table": table}

def reference(x, table):
    # x = x.clamp(0, num_embeddings - 1); return embedding(x)
    idx = jnp.clip(x, 0, table.shape[0] - 1)
    return jnp.take(table, idx, axis=0)

if __name__ == "__main__":
    import jax
    _d = setup_inputs()
    print(jax.jit(kernel)(*tuple(_d.values())))

</pallas_src>

<mosaic_0001>
#map = affine_map<(d0, d1) -> (0)>
#map1 = affine_map<(d0, d1) -> (0, 0)>
module attributes {stable_mosaic.version = 14 : i64} {
  func.func @_emb_lookup(%arg0: i32, %arg1: i32, %arg2: memref<16384xi32, #tpu.memory_space<hbm>>, %arg3: memref<256000x2560xf32, #tpu.memory_space<hbm>>, %arg4: memref<16384x2560xf32, #tpu.memory_space<hbm>>, %arg5: memref<512xi32, #tpu.memory_space<vmem>>, %arg6: memref<8x2560xf32, #tpu.memory_space<vmem>>, %arg7: memref<8x2560xf32, #tpu.memory_space<vmem>>, %arg8: memref<8x2560xf32, #tpu.memory_space<vmem>>, %arg9: memref<8x2560xf32, #tpu.memory_space<vmem>>, %arg10: memref<!tpu.dma_semaphore, #tpu.memory_space<semaphore_mem>>, %arg11: memref<!tpu.dma_semaphore, #tpu.memory_space<semaphore_mem>>, %arg12: memref<!tpu.dma_semaphore, #tpu.memory_space<semaphore_mem>>, %arg13: memref<!tpu.dma_semaphore, #tpu.memory_space<semaphore_mem>>) attributes {dimension_semantics = [#tpu.dimension_semantics<core_parallel>, #tpu.dimension_semantics<subcore_parallel>], iteration_bounds = array<i64: 2, 16>, scalar_prefetch = 0 : i64, scratch_operands = 9 : i64, tpu.core_type = #tpu.core_type<sc_vector_subcore>, window_params = [{transform_indices = #map}, {transform_indices = #map1}, {transform_indices = #map1}]} {
    %mul3A = arith.constant 2 : i32
    %mul3A_0 = arith.muli %arg1, %mul3A : i32
    %add3A = arith.addi %mul3A_0, %arg0 : i32
    %mul3A_1 = arith.constant 512 : i32
    %mul3A_2 = arith.muli %add3A, %mul3A_1 : i32
    "tpu.region"() ({
      %run_scoped3A = tpu.sem_alloc : memref<!tpu.dma_semaphore, #tpu.memory_space<semaphore_mem>>
      %dma_start3A_64 = tpu.memref_slice %arg2[%mul3A_2] : memref<16384xi32, #tpu.memory_space<hbm>> -> memref<512xi32, #tpu.memory_space<hbm>>
      %dma_start3A_65 = tpu.memref_slice %arg2[%mul3A_2] : memref<16384xi32, #tpu.memory_space<hbm>> -> memref<512xi32, #tpu.memory_space<hbm>>
      tpu.enqueue_dma source(%dma_start3A_65 : memref<512xi32, #tpu.memory_space<hbm>>) target(%arg5 : memref<512xi32, #tpu.memory_space<vmem>>) target_semaphore(%run_scoped3A : memref<!tpu.dma_semaphore, #tpu.memory_space<semaphore_mem>>)
      %dma_wait3A_66 = tpu.memref_slice %arg2[%mul3A_2] : memref<16384xi32, #tpu.memory_space<hbm>> -> memref<512xi32, #tpu.memory_space<hbm>>
      %dma_wait3A_67 = tpu.memref_slice %arg2[%mul3A_2] : memref<16384xi32, #tpu.memory_space<hbm>> -> memref<512xi32, #tpu.memory_space<hbm>>
      tpu.wait_dma2 semaphore(%run_scoped3A : memref<!tpu.dma_semaphore, #tpu.memory_space<semaphore_mem>>) src(%dma_wait3A_67 : memref<512xi32, #tpu.memory_space<hbm>>) dst(%arg5 : memref<512xi32, #tpu.memory_space<vmem>>)
      tpu.yield
    }) : () -> ()
    %scan3A = arith.constant 0 : i32
    %scan3A_3 = arith.constant 0 : i32
    %scan3A_4 = arith.constant 32 : i32
    %scan3A_5 = arith.addi %scan3A_3, %scan3A_4 : i32
    %scan3A_6 = arith.constant 1 : i32
    scf.for %scan3A_64 = %scan3A_3 to %scan3A_5 step %scan3A_6  : i32 {
      %mul3A_65 = arith.constant 16 : i32
      %mul3A_66 = arith.muli %scan3A_64, %mul3A_65 : i32
      %get3A = arith.index_cast %mul3A_66 : i32 to index
      %get3A_67 = tpu.vector_load %arg5[%get3A] {strides = array<i32>} : memref<512xi32, #tpu.memory_space<vmem>>, vector<16xi32>,
      %get3A_68 = vector.shape_cast %get3A_67 : vector<16xi32> to vector<16xi32>
      %max3A = arith.constant 0 : i32
      %max3A_69 = vector.broadcast %max3A : i32 to vector<16xi32>
      %max3A_70 = arith.maxsi %get3A_68, %max3A_69 : vector<16xi32>
      %min3A = arith.constant 255999 : i32
      %min3A_71 = vector.broadcast %min3A : i32 to vector<16xi32>
      %min3A_72 = arith.minsi %max3A_70, %min3A_71 : vector<16xi32>
      %swap3A = arith.index_cast %mul3A_66 : i32 to index
      %swap3A_73 = tpu.vector_load %arg5[%swap3A] {strides = array<i32>} : memref<512xi32, #tpu.memory_space<vmem>>, vector<16xi32>,
      %swap3A_74 = vector.shape_cast %swap3A_73 : vector<16xi32> to vector<16xi32>
      %swap3A_75 = vector.shape_cast %min3A_72 : vector<16xi32> to vector<16xi32>
      tpu.vector_store %arg5[%swap3A], %swap3A_75 {strides = array<i32>} : memref<512xi32, #tpu.memory_space<vmem>>, vector<16xi32>,
    }
    %scan3A_7 = arith.constant 32 : i32
    %dma_start3A = arith.constant 0 : i32
    %dma_start3A_8 = tpu.memref_slice %arg5[%dma_start3A] : memref<512xi32, #tpu.memory_space<vmem>> -> memref<8xi32, #tpu.memory_space<vmem>>
    %dma_start3A_9 = arith.constant 0 : i32
    %dma_start3A_10 = arith.constant 0 : i32
    %dma_start3A_11 = tpu.memref_slice %arg3[%dma_start3A_9, %dma_start3A_10] : memref<256000x2560xf32, #tpu.memory_space<hbm>> -> memref<256000x2560xf32, #tpu.memory_space<hbm>>
    tpu.enqueue_indirect_dma source(%dma_start3A_11 : memref<256000x2560xf32, #tpu.memory_space<hbm>>) target(%arg6 : memref<8x2560xf32, #tpu.memory_space<vmem>>) offsets(%dma_start3A_8 : memref<8xi32, #tpu.memory_space<vmem>>) semaphore(%arg10 : memref<!tpu.dma_semaphore, #tpu.memory_space<semaphore_mem>>)
    %dma_start3A_12 = arith.constant 8 : i32
    %dma_start3A_13 = tpu.memref_slice %arg5[%dma_start3A_12] : memref<512xi32, #tpu.memory_space<vmem>> -> memref<8xi32, #tpu.memory_space<vmem>>
    %dma_start3A_14 = arith.constant 0 : i32
    %dma_start3A_15 = arith.constant 0 : i32
    %dma_start3A_16 = tpu.memref_slice %arg3[%dma_start3A_14, %dma_start3A_15] : memref<256000x2560xf32, #tpu.memory_space<hbm>> -> memref<256000x2560xf32, #tpu.memory_space<hbm>>
    tpu.enqueue_indirect_dma source(%dma_start3A_16 : memref<256000x2560xf32, #tpu.memory_space<hbm>>) target(%arg7 : memref<8x2560xf32, #tpu.memory_space<vmem>>) offsets(%dma_start3A_13 : memref<8xi32, #tpu.memory_space<vmem>>) semaphore(%arg11 : memref<!tpu.dma_semaphore, #tpu.memory_space<semaphore_mem>>)
    %dma_start3A_17 = arith.constant 16 : i32
    %dma_start3A_18 = tpu.memref_slice %arg5[%dma_start3A_17] : memref<512xi32, #tpu.memory_space<vmem>> -> memref<8xi32, #tpu.memory_space<vmem>>
    %dma_start3A_19 = arith.constant 0 : i32
    %dma_start3A_20 = arith.constant 0 : i32
    %dma_start3A_21 = tpu.memref_slice %arg3[%dma_start3A_19, %dma_start3A_20] : memref<256000x2560xf32, #tpu.memory_space<hbm>> -> memref<256000x2560xf32, #tpu.memory_space<hbm>>
    tpu.enqueue_indirect_dma source(%dma_start3A_21 : memref<256000x2560xf32, #tpu.memory_space<hbm>>) target(%arg8 : memref<8x2560xf32, #tpu.memory_space<vmem>>) offsets(%dma_start3A_18 : memref<8xi32, #tpu.memory_space<vmem>>) semaphore(%arg12 : memref<!tpu.dma_semaphore, #tpu.memory_space<semaphore_mem>>)
    %dma_start3A_22 = arith.constant 24 : i32
    %dma_start3A_23 = tpu.memref_slice %arg5[%dma_start3A_22] : memref<512xi32, #tpu.memory_space<vmem>> -> memref<8xi32, #tpu.memory_space<vmem>>
    %dma_start3A_24 = arith.constant 0 : i32
    %dma_start3A_25 = arith.constant 0 : i32
    %dma_start3A_26 = tpu.memref_slice %arg3[%dma_start3A_24, %dma_start3A_25] : memref<256000x2560xf32, #tpu.memory_space<hbm>> -> memref<256000x2560xf32, #tpu.memory_space<hbm>>
    tpu.enqueue_indirect_dma source(%dma_start3A_26 : memref<256000x2560xf32, #tpu.memory_space<hbm>>) target(%arg9 : memref<8x2560xf32, #tpu.memory_space<vmem>>) offsets(%dma_start3A_23 : memref<8xi32, #tpu.memory_space<vmem>>) semaphore(%arg13 : memref<!tpu.dma_semaphore, #tpu.memory_space<semaphore_mem>>)
    %scan3A_27 = arith.constant 0 : i32
    %scan3A_28 = arith.constant 0 : i32
    %scan3A_29 = arith.constant 15 : i32
    %scan3A_30 = arith.addi %scan3A_28, %scan3A_29 : i32
    %scan3A_31 = arith.constant 1 : i32
    scf.for %scan3A_64 = %scan3A_28 to %scan3A_30 step %scan3A_31  : i32 {
      %mul3A_65 = arith.constant 4 : i32
      %mul3A_66 = arith.muli %scan3A_64, %mul3A_65 : i32
      %add3A_67 = arith.constant 0 : i32
      %add3A_68 = arith.addi %mul3A_66, %add3A_67 : i32
      %dma_wait3A_69 = arith.constant 0 : i32
      %dma_wait3A_70 = arith.constant 0 : i32
      %dma_wait3A_71 = tpu.memref_slice %arg3[%dma_wait3A_69, %dma_wait3A_70] : memref<256000x2560xf32, #tpu.memory_space<hbm>> -> memref<8x2560xf32, #tpu.memory_space<hbm>>
      %dma_wait3A_72 = arith.constant 0 : i32
      %dma_wait3A_73 = arith.constant 0 : i32
      %dma_wait3A_74 = tpu.memref_slice %arg3[%dma_wait3A_72, %dma_wait3A_73] : memref<256000x2560xf32, #tpu.memory_space<hbm>> -> memref<8x2560xf32, #tpu.memory_space<hbm>>
      tpu.wait_dma2 semaphore(%arg10 : memref<!tpu.dma_semaphore, #tpu.memory_space<semaphore_mem>>) src(%dma_wait3A_74 : memref<8x2560xf32, #tpu.memory_space<hbm>>) dst(%arg6 : memref<8x2560xf32, #tpu.memory_space<vmem>>)
      %mul3A_75 = arith.constant 8 : i32
      %mul3A_76 = arith.muli %add3A_68, %mul3A_75 : i32
      %add3A_77 = arith.addi %mul3A_2, %mul3A_76 : i32
      "tpu.region"() ({
        %run_scoped3A = tpu.sem_alloc : memref<!tpu.dma_semaphore, #tpu.memory_space<semaphore_mem>>
        %dma_start3A_143 = arith.constant 0 : i32
        %dma_start3A_144 = tpu.memref_slice %arg4[%add3A_77, %dma_start3A_143] : memref<16384x2560xf32, #tpu.memory_space<hbm>> -> memref<8x2560xf32, #tpu.memory_space<hbm>>
        %dma_start3A_145 = arith.constant 0 : i32
        %dma_start3A_146 = tpu.memref_slice %arg4[%add3A_77, %dma_start3A_145] : memref<16384x2560xf32, #tpu.memory_space<hbm>> -> memref<8x2560xf32, #tpu.memory_space<hbm>>
        tpu.enqueue_dma source(%arg6 : memref<8x2560xf32, #tpu.memory_space<vmem>>) target(%dma_start3A_146 : memref<8x2560xf32, #tpu.memory_space<hbm>>) target_semaphore(%run_scoped3A : memref<!tpu.dma_semaphore, #tpu.memory_space<semaphore_mem>>)
        %dma_wait3A_147 = arith.constant 0 : i32
        %dma_wait3A_148 = tpu.memref_slice %arg4[%add3A_77, %dma_wait3A_147] : memref<16384x2560xf32, #tpu.memory_space<hbm>> -> memref<8x2560xf32, #tpu.memory_space<hbm>>
        %dma_wait3A_149 = arith.constant 0 : i32
        %dma_wait3A_150 = tpu.memref_slice %arg4[%add3A_77, %dma_wait3A_149] : memref<16384x2560xf32, #tpu.memory_space<hbm>> -> memref<8x2560xf32, #tpu.memory_space<hbm>>
        tpu.wait_dma2 semaphore(%run_scoped3A : memref<!tpu.dma_semaphore, #tpu.memory_space<semaphore_mem>>) src(%arg6 : memref<8x2560xf32, #tpu.memory_space<vmem>>) dst(%dma_wait3A_150 : memref<8x2560xf32, #tpu.memory_space<hbm>>)
        tpu.yield
      }) : () -> ()
      %add3A_78 = arith.constant 4 : i32
      %add3A_79 = arith.addi %add3A_68, %add3A_78 : i32
      %mul3A_80 = arith.constant 8 : i32
      %mul3A_81 = arith.muli %add3A_79, %mul3A_80 : i32
      %dma_start3A_82 = tpu.memref_slice %arg5[%mul3A_81] : memref<512xi32, #tpu.memory_space<vmem>> -> memref<8xi32, #tpu.memory_space<vmem>>
      %dma_start3A_83 = arith.constant 0 : i32
      %dma_start3A_84 = arith.constant 0 : i32
      %dma_start3A_85 = tpu.memref_slice %arg3[%dma_start3A_83, %dma_start3A_84] : memref<256000x2560xf32, #tpu.memory_space<hbm>> -> memref<256000x2560xf32, #tpu.memory_space<hbm>>
      tpu.enqueue_indirect_dma source(%dma_start3A_85 : memref<256000x2560xf32, #tpu.memory_space<hbm>>) target(%arg6 : memref<8x2560xf32, #tpu.memory_space<vmem>>) offsets(%dma_start3A_82 : memref<8xi32, #tpu.memory_space<vmem>>) semaphore(%arg10 : memref<!tpu.dma_semaphore, #tpu.memory_space<semaphore_mem>>)
      %add3A_86 = arith.constant 1 : i32
      %add3A_87 = arith.addi %mul3A_66, %add3A_86 : i32
      %dma_wait3A_88 = arith.constant 0 : i32
      %dma_wait3A_89 = arith.constant 0 : i32
      %dma_wait3A_90 = tpu.memref_slice %arg3[%dma_wait3A_88, %dma_wait3A_89] : memref<256000x2560xf32, #tpu.memory_space<hbm>> -> memref<8x2560xf32, #tpu.memory_space<hbm>>
      %dma_wait3A_91 = arith.constant 0 : i32
      %dma_wait3A_92 = arith.constant 0 : i32
      %dma_wait3A_93 = tpu.memref_slice %arg3[%dma_wait3A_91, %dma_wait3A_92] : memref<256000x2560xf32, #tpu.memory_space<hbm>> -> memref<8x2560xf32, #tpu.memory_space<hbm>>
      tpu.wait_dma2 semaphore(%arg11 : memref<!tpu.dma_semaphore, #tpu.memory_space<semaphore_mem>>) src(%dma_wait3A_93 : memref<8x2560xf32, #tpu.memory_space<hbm>>) dst(%arg7 : memref<8x2560xf32, #tpu.memory_space<vmem>>)
      %mul3A_94 = arith.constant 8 : i32
      %mul3A_95 = arith.muli %add3A_87, %mul3A_94 : i32
      %add3A_96 = arith.addi %mul3A_2, %mul3A_95 : i32
      "tpu.region"() ({
        %run_scoped3A = tpu.sem_alloc : memref<!tpu.dma_semaphore, #tpu.memory_space<semaphore_mem>>
        %dma_start3A_143 = arith.constant 0 : i32
        %dma_start3A_144 = tpu.memref_slice %arg4[%add3A_96, %dma_start3A_143] : memref<16384x2560xf32, #tpu.memory_space<hbm>> -> memref<8x2560xf32, #tpu.memory_space<hbm>>
        %dma_start3A_145 = arith.constant 0 : i32
        %dma_start3A_146 = tpu.memref_slice %arg4[%add3A_96, %dma_start3A_145] : memref<16384x2560xf32, #tpu.memory_space<hbm>> -> memref<8x2560xf32, #tpu.memory_space<hbm>>
        tpu.enqueue_dma source(%arg7 : memref<8x2560xf32, #tpu.memory_space<vmem>>) target(%dma_start3A_146 : memref<8x2560xf32, #tpu.memory_space<hbm>>) target_semaphore(%run_scoped3A : memref<!tpu.dma_semaphore, #tpu.memory_space<semaphore_mem>>)
        %dma_wait3A_147 = arith.constant 0 : i32
        %dma_wait3A_148 = tpu.memref_slice %arg4[%add3A_96, %dma_wait3A_147] : memref<16384x2560xf32, #tpu.memory_space<hbm>> -> memref<8x2560xf32, #tpu.memory_space<hbm>>
        %dma_wait3A_149 = arith.constant 0 : i32
        %dma_wait3A_150 = tpu.memref_slice %arg4[%add3A_96, %dma_wait3A_149] : memref<16384x2560xf32, #tpu.memory_space<hbm>> -> memref<8x2560xf32, #tpu.memory_space<hbm>>
        tpu.wait_dma2 semaphore(%run_scoped3A : memref<!tpu.dma_semaphore, #tpu.memory_space<semaphore_mem>>) src(%arg7 : memref<8x2560xf32, #tpu.memory_space<vmem>>) dst(%dma_wait3A_150 : memref<8x2560xf32, #tpu.memory_space<hbm>>)
        tpu.yield
      }) : () -> ()
      %add3A_97 = arith.constant 4 : i32
      %add3A_98 = arith.addi %add3A_87, %add3A_97 : i32
      %mul3A_99 = arith.constant 8 : i32
      %mul3A_100 = arith.muli %add3A_98, %mul3A_99 : i32
      %dma_start3A_101 = tpu.memref_slice %arg5[%mul3A_100] : memref<512xi32, #tpu.memory_space<vmem>> -> memref<8xi32, #tpu.memory_space<vmem>>
      %dma_start3A_102 = arith.constant 0 : i32
      %dma_start3A_103 = arith.constant 0 : i32
      %dma_start3A_104 = tpu.memref_slice %arg3[%dma_start3A_102, %dma_start3A_103] : memref<256000x2560xf32, #tpu.memory_space<hbm>> -> memref<256000x2560xf32, #tpu.memory_space<hbm>>
      tpu.enqueue_indirect_dma source(%dma_start3A_104 : memref<256000x2560xf32, #tpu.memory_space<hbm>>) target(%arg7 : memref<8x2560xf32, #tpu.memory_space<vmem>>) offsets(%dma_start3A_101 : memref<8xi32, #tpu.memory_space<vmem>>) semaphore(%arg11 : memref<!tpu.dma_semaphore, #tpu.memory_space<semaphore_mem>>)
      %add3A_105 = arith.constant 2 : i32
      %add3A_106 = arith.addi %mul3A_66, %add3A_105 : i32
      %dma_wait3A_107 = arith.constant 0 : i32
      %dma_wait3A_108 = arith.constant 0 : i32
      %dma_wait3A_109 = tpu.memref_slice %arg3[%dma_wait3A_107, %dma_wait3A_108] : memref<256000x2560xf32, #tpu.memory_space<hbm>> -> memref<8x2560xf32, #tpu.memory_space<hbm>>
      %dma_wait3A_110 = arith.constant 0 : i32
      %dma_wait3A_111 = arith.constant 0 : i32
      %dma_wait3A_112 = tpu.memref_slice %arg3[%dma_wait3A_110, %dma_wait3A_111] : memref<256000x2560xf32, #tpu.memory_space<hbm>> -> memref<8x2560xf32, #tpu.memory_space<hbm>>
      tpu.wait_dma2 semaphore(%arg12 : memref<!tpu.dma_semaphore, #tpu.memory_space<semaphore_mem>>) src(%dma_wait3A_112 : memref<8x2560xf32, #tpu.memory_space<hbm>>) dst(%arg8 : memref<8x2560xf32, #tpu.memory_space<vmem>>)
      %mul3A_113 = arith.constant 8 : i32
      %mul3A_114 = arith.muli %add3A_106, %mul3A_113 : i32
      %add3A_115 = arith.addi %mul3A_2, %mul3A_114 : i32
      "tpu.region"() ({
        %run_scoped3A = tpu.sem_alloc : memref<!tpu.dma_semaphore, #tpu.memory_space<semaphore_mem>>
        %dma_start3A_143 = arith.constant 0 : i32
        %dma_start3A_144 = tpu.memref_slice %arg4[%add3A_115, %dma_start3A_143] : memref<16384x2560xf32, #tpu.memory_space<hbm>> -> memref<8x2560xf32, #tpu.memory_space<hbm>>
        %dma_start3A_145 = arith.constant 0 : i32
        %dma_start3A_146 = tpu.memref_slice %arg4[%add3A_115, %dma_start3A_145] : memref<16384x2560xf32, #tpu.memory_space<hbm>> -> memref<8x2560xf32, #tpu.memory_space<hbm>>
        tpu.enqueue_dma source(%arg8 : memref<8x2560xf32, #tpu.memory_space<vmem>>) target(%dma_start3A_146 : memref<8x2560xf32, #tpu.memory_space<hbm>>) target_semaphore(%run_scoped3A : memref<!tpu.dma_semaphore, #tpu.memory_space<semaphore_mem>>)
        %dma_wait3A_147 = arith.constant 0 : i32
        %dma_wait3A_148 = tpu.memref_slice %arg4[%add3A_115, %dma_wait3A_147] : memref<16384x2560xf32, #tpu.memory_space<hbm>> -> memref<8x2560xf32, #tpu.memory_space<hbm>>
        %dma_wait3A_149 = arith.constant 0 : i32
        %dma_wait3A_150 = tpu.memref_slice %arg4[%add3A_115, %dma_wait3A_149] : memref<16384x2560xf32, #tpu.memory_space<hbm>> -> memref<8x2560xf32, #tpu.memory_space<hbm>>
        tpu.wait_dma2 semaphore(%run_scoped3A : memref<!tpu.dma_semaphore, #tpu.memory_space<semaphore_mem>>) src(%arg8 : memref<8x2560xf32, #tpu.memory_space<vmem>>) dst(%dma_wait3A_150 : memref<8x2560xf32, #tpu.memory_space<hbm>>)
        tpu.yield
      }) : () -> ()
      %add3A_116 = arith.constant 4 : i32
      %add3A_117 = arith.addi %add3A_106, %add3A_116 : i32
      %mul3A_118 = arith.constant 8 : i32
      %mul3A_119 = arith.muli %add3A_117, %mul3A_118 : i32
      %dma_start3A_120 = tpu.memref_slice %arg5[%mul3A_119] : memref<512xi32, #tpu.memory_space<vmem>> -> memref<8xi32, #tpu.memory_space<vmem>>
      %dma_start3A_121 = arith.constant 0 : i32
      %dma_start3A_122 = arith.constant 0 : i32
      %dma_start3A_123 = tpu.memref_slice %arg3[%dma_start3A_121, %dma_start3A_122] : memref<256000x2560xf32, #tpu.memory_space<hbm>> -> memref<256000x2560xf32, #tpu.memory_space<hbm>>
      tpu.enqueue_indirect_dma source(%dma_start3A_123 : memref<256000x2560xf32, #tpu.memory_space<hbm>>) target(%arg8 : memref<8x2560xf32, #tpu.memory_space<vmem>>) offsets(%dma_start3A_120 : memref<8xi32, #tpu.memory_space<vmem>>) semaphore(%arg12 : memref<!tpu.dma_semaphore, #tpu.memory_space<semaphore_mem>>)
      %add3A_124 = arith.constant 3 : i32
      %add3A_125 = arith.addi %mul3A_66, %add3A_124 : i32
      %dma_wait3A_126 = arith.constant 0 : i32
      %dma_wait3A_127 = arith.constant 0 : i32
      %dma_wait3A_128 = tpu.memref_slice %arg3[%dma_wait3A_126, %dma_wait3A_127] : memref<256000x2560xf32, #tpu.memory_space<hbm>> -> memref<8x2560xf32, #tpu.memory_space<hbm>>
      %dma_wait3A_129 = arith.constant 0 : i32
      %dma_wait3A_130 = arith.constant 0 : i32
      %dma_wait3A_131 = tpu.memref_slice %arg3[%dma_wait3A_129, %dma_wait3A_130] : memref<256000x2560xf32, #tpu.memory_space<hbm>> -> memref<8x2560xf32, #tpu.memory_space<hbm>>
      tpu.wait_dma2 semaphore(%arg13 : memref<!tpu.dma_semaphore, #tpu.memory_space<semaphore_mem>>) src(%dma_wait3A_131 : memref<8x2560xf32, #tpu.memory_space<hbm>>) dst(%arg9 : memref<8x2560xf32, #tpu.memory_space<vmem>>)
      %mul3A_132 = arith.constant 8 : i32
      %mul3A_133 = arith.muli %add3A_125, %mul3A_132 : i32
      %add3A_134 = arith.addi %mul3A_2, %mul3A_133 : i32
      "tpu.region"() ({
        %run_scoped3A = tpu.sem_alloc : memref<!tpu.dma_semaphore, #tpu.memory_space<semaphore_mem>>
        %dma_start3A_143 = arith.constant 0 : i32
        %dma_start3A_144 = tpu.memref_slice %arg4[%add3A_134, %dma_start3A_143] : memref<16384x2560xf32, #tpu.memory_space<hbm>> -> memref<8x2560xf32, #tpu.memory_space<hbm>>
        %dma_start3A_145 = arith.constant 0 : i32
        %dma_start3A_146 = tpu.memref_slice %arg4[%add3A_134, %dma_start3A_145] : memref<16384x2560xf32, #tpu.memory_space<hbm>> -> memref<8x2560xf32, #tpu.memory_space<hbm>>
        tpu.enqueue_dma source(%arg9 : memref<8x2560xf32, #tpu.memory_space<vmem>>) target(%dma_start3A_146 : memref<8x2560xf32, #tpu.memory_space<hbm>>) target_semaphore(%run_scoped3A : memref<!tpu.dma_semaphore, #tpu.memory_space<semaphore_mem>>)
        %dma_wait3A_147 = arith.constant 0 : i32
        %dma_wait3A_148 = tpu.memref_slice %arg4[%add3A_134, %dma_wait3A_147] : memref<16384x2560xf32, #tpu.memory_space<hbm>> -> memref<8x2560xf32, #tpu.memory_space<hbm>>
        %dma_wait3A_149 = arith.constant 0 : i32
        %dma_wait3A_150 = tpu.memref_slice %arg4[%add3A_134, %dma_wait3A_149] : memref<16384x2560xf32, #tpu.memory_space<hbm>> -> memref<8x2560xf32, #tpu.memory_space<hbm>>
        tpu.wait_dma2 semaphore(%run_scoped3A : memref<!tpu.dma_semaphore, #tpu.memory_space<semaphore_mem>>) src(%arg9 : memref<8x2560xf32, #tpu.memory_space<vmem>>) dst(%dma_wait3A_150 : memref<8x2560xf32, #tpu.memory_space<hbm>>)
        tpu.yield
      }) : () -> ()
      %add3A_135 = arith.constant 4 : i32
      %add3A_136 = arith.addi %add3A_125, %add3A_135 : i32
      %mul3A_137 = arith.constant 8 : i32
      %mul3A_138 = arith.muli %add3A_136, %mul3A_137 : i32
      %dma_start3A_139 = tpu.memref_slice %arg5[%mul3A_138] : memref<512xi32, #tpu.memory_space<vmem>> -> memref<8xi32, #tpu.memory_space<vmem>>
      %dma_start3A_140 = arith.constant 0 : i32
      %dma_start3A_141 = arith.constant 0 : i32
      %dma_start3A_142 = tpu.memref_slice %arg3[%dma_start3A_140, %dma_start3A_141] : memref<256000x2560xf32, #tpu.memory_space<hbm>> -> memref<256000x2560xf32, #tpu.memory_space<hbm>>
      tpu.enqueue_indirect_dma source(%dma_start3A_142 : memref<256000x2560xf32, #tpu.memory_space<hbm>>) target(%arg9 : memref<8x2560xf32, #tpu.memory_space<vmem>>) offsets(%dma_start3A_139 : memref<8xi32, #tpu.memory_space<vmem>>) semaphore(%arg13 : memref<!tpu.dma_semaphore, #tpu.memory_space<semaphore_mem>>)
    }
    %scan3A_32 = arith.constant 15 : i32
    %dma_wait3A = arith.constant 0 : i32
    %dma_wait3A_33 = arith.constant 0 : i32
    %dma_wait3A_34 = tpu.memref_slice %arg3[%dma_wait3A, %dma_wait3A_33] : memref<256000x2560xf32, #tpu.memory_space<hbm>> -> memref<8x2560xf32, #tpu.memory_space<hbm>>
    %dma_wait3A_35 = arith.constant 0 : i32
    %dma_wait3A_36 = arith.constant 0 : i32
    %dma_wait3A_37 = tpu.memref_slice %arg3[%dma_wait3A_35, %dma_wait3A_36] : memref<256000x2560xf32, #tpu.memory_space<hbm>> -> memref<8x2560xf32, #tpu.memory_space<hbm>>
    tpu.wait_dma2 semaphore(%arg10 : memref<!tpu.dma_semaphore, #tpu.memory_space<semaphore_mem>>) src(%dma_wait3A_37 : memref<8x2560xf32, #tpu.memory_space<hbm>>) dst(%arg6 : memref<8x2560xf32, #tpu.memory_space<vmem>>)
    %add3A_38 = arith.constant 480 : i32
    %add3A_39 = arith.addi %mul3A_2, %add3A_38 : i32
    "tpu.region"() ({
      %run_scoped3A = tpu.sem_alloc : memref<!tpu.dma_semaphore, #tpu.memory_space<semaphore_mem>>
      %dma_start3A_64 = arith.constant 0 : i32
      %dma_start3A_65 = tpu.memref_slice %arg4[%add3A_39, %dma_start3A_64] : memref<16384x2560xf32, #tpu.memory_space<hbm>> -> memref<8x2560xf32, #tpu.memory_space<hbm>>
      %dma_start3A_66 = arith.constant 0 : i32
      %dma_start3A_67 = tpu.memref_slice %arg4[%add3A_39, %dma_start3A_66] : memref<16384x2560xf32, #tpu.memory_space<hbm>> -> memref<8x2560xf32, #tpu.memory_space<hbm>>
      tpu.enqueue_dma source(%arg6 : memref<8x2560xf32, #tpu.memory_space<vmem>>) target(%dma_start3A_67 : memref<8x2560xf32, #tpu.memory_space<hbm>>) target_semaphore(%run_scoped3A : memref<!tpu.dma_semaphore, #tpu.memory_space<semaphore_mem>>)
      %dma_wait3A_68 = arith.constant 0 : i32
      %dma_wait3A_69 = tpu.memref_slice %arg4[%add3A_39, %dma_wait3A_68] : memref<16384x2560xf32, #tpu.memory_space<hbm>> -> memref<8x2560xf32, #tpu.memory_space<hbm>>
      %dma_wait3A_70 = arith.constant 0 : i32
      %dma_wait3A_71 = tpu.memref_slice %arg4[%add3A_39, %dma_wait3A_70] : memref<16384x2560xf32, #tpu.memory_space<hbm>> -> memref<8x2560xf32, #tpu.memory_space<hbm>>
      tpu.wait_dma2 semaphore(%run_scoped3A : memref<!tpu.dma_semaphore, #tpu.memory_space<semaphore_mem>>) src(%arg6 : memref<8x2560xf32, #tpu.memory_space<vmem>>) dst(%dma_wait3A_71 : memref<8x2560xf32, #tpu.memory_space<hbm>>)
      tpu.yield
    }) : () -> ()
    %dma_wait3A_40 = arith.constant 0 : i32
    %dma_wait3A_41 = arith.constant 0 : i32
    %dma_wait3A_42 = tpu.memref_slice %arg3[%dma_wait3A_40, %dma_wait3A_41] : memref<256000x2560xf32, #tpu.memory_space<hbm>> -> memref<8x2560xf32, #tpu.memory_space<hbm>>
    %dma_wait3A_43 = arith.constant 0 : i32
    %dma_wait3A_44 = arith.constant 0 : i32
    %dma_wait3A_45 = tpu.memref_slice %arg3[%dma_wait3A_43, %dma_wait3A_44] : memref<256000x2560xf32, #tpu.memory_space<hbm>> -> memref<8x2560xf32, #tpu.memory_space<hbm>>
    tpu.wait_dma2 semaphore(%arg11 : memref<!tpu.dma_semaphore, #tpu.memory_space<semaphore_mem>>) src(%dma_wait3A_45 : memref<8x2560xf32, #tpu.memory_space<hbm>>) dst(%arg7 : memref<8x2560xf32, #tpu.memory_space<vmem>>)
    %add3A_46 = arith.constant 488 : i32
    %add3A_47 = arith.addi %mul3A_2, %add3A_46 : i32
    "tpu.region"() ({
      %run_scoped3A = tpu.sem_alloc : memref<!tpu.dma_semaphore, #tpu.memory_space<semaphore_mem>>
      %dma_start3A_64 = arith.constant 0 : i32
      %dma_start3A_65 = tpu.memref_slice %arg4[%add3A_47, %dma_start3A_64] : memref<16384x2560xf32, #tpu.memory_space<hbm>> -> memref<8x2560xf32, #tpu.memory_space<hbm>>
      %dma_start3A_66 = arith.constant 0 : i32
      %dma_start3A_67 = tpu.memref_slice %arg4[%add3A_47, %dma_start3A_66] : memref<16384x2560xf32, #tpu.memory_space<hbm>> -> memref<8x2560xf32, #tpu.memory_space<hbm>>
      tpu.enqueue_dma source(%arg7 : memref<8x2560xf32, #tpu.memory_space<vmem>>) target(%dma_start3A_67 : memref<8x2560xf32, #tpu.memory_space<hbm>>) target_semaphore(%run_scoped3A : memref<!tpu.dma_semaphore, #tpu.memory_space<semaphore_mem>>)
      %dma_wait3A_68 = arith.constant 0 : i32
      %dma_wait3A_69 = tpu.memref_slice %arg4[%add3A_47, %dma_wait3A_68] : memref<16384x2560xf32, #tpu.memory_space<hbm>> -> memref<8x2560xf32, #tpu.memory_space<hbm>>
      %dma_wait3A_70 = arith.constant 0 : i32
      %dma_wait3A_71 = tpu.memref_slice %arg4[%add3A_47, %dma_wait3A_70] : memref<16384x2560xf32, #tpu.memory_space<hbm>> -> memref<8x2560xf32, #tpu.memory_space<hbm>>
      tpu.wait_dma2 semaphore(%run_scoped3A : memref<!tpu.dma_semaphore, #tpu.memory_space<semaphore_mem>>) src(%arg7 : memref<8x2560xf32, #tpu.memory_space<vmem>>) dst(%dma_wait3A_71 : memref<8x2560xf32, #tpu.memory_space<hbm>>)
      tpu.yield
    }) : () -> ()
    %dma_wait3A_48 = arith.constant 0 : i32
    %dma_wait3A_49 = arith.constant 0 : i32
    %dma_wait3A_50 = tpu.memref_slice %arg3[%dma_wait3A_48, %dma_wait3A_49] : memref<256000x2560xf32, #tpu.memory_space<hbm>> -> memref<8x2560xf32, #tpu.memory_space<hbm>>
    %dma_wait3A_51 = arith.constant 0 : i32
    %dma_wait3A_52 = arith.constant 0 : i32
    %dma_wait3A_53 = tpu.memref_slice %arg3[%dma_wait3A_51, %dma_wait3A_52] : memref<256000x2560xf32, #tpu.memory_space<hbm>> -> memref<8x2560xf32, #tpu.memory_space<hbm>>
    tpu.wait_dma2 semaphore(%arg12 : memref<!tpu.dma_semaphore, #tpu.memory_space<semaphore_mem>>) src(%dma_wait3A_53 : memref<8x2560xf32, #tpu.memory_space<hbm>>) dst(%arg8 : memref<8x2560xf32, #tpu.memory_space<vmem>>)
    %add3A_54 = arith.constant 496 : i32
    %add3A_55 = arith.addi %mul3A_2, %add3A_54 : i32
    "tpu.region"() ({
      %run_scoped3A = tpu.sem_alloc : memref<!tpu.dma_semaphore, #tpu.memory_space<semaphore_mem>>
      %dma_start3A_64 = arith.constant 0 : i32
      %dma_start3A_65 = tpu.memref_slice %arg4[%add3A_55, %dma_start3A_64] : memref<16384x2560xf32, #tpu.memory_space<hbm>> -> memref<8x2560xf32, #tpu.memory_space<hbm>>
      %dma_start3A_66 = arith.constant 0 : i32
      %dma_start3A_67 = tpu.memref_slice %arg4[%add3A_55, %dma_start3A_66] : memref<16384x2560xf32, #tpu.memory_space<hbm>> -> memref<8x2560xf32, #tpu.memory_space<hbm>>
      tpu.enqueue_dma source(%arg8 : memref<8x2560xf32, #tpu.memory_space<vmem>>) target(%dma_start3A_67 : memref<8x2560xf32, #tpu.memory_space<hbm>>) target_semaphore(%run_scoped3A : memref<!tpu.dma_semaphore, #tpu.memory_space<semaphore_mem>>)
      %dma_wait3A_68 = arith.constant 0 : i32
      %dma_wait3A_69 = tpu.memref_slice %arg4[%add3A_55, %dma_wait3A_68] : memref<16384x2560xf32, #tpu.memory_space<hbm>> -> memref<8x2560xf32, #tpu.memory_space<hbm>>
      %dma_wait3A_70 = arith.constant 0 : i32
      %dma_wait3A_71 = tpu.memref_slice %arg4[%add3A_55, %dma_wait3A_70] : memref<16384x2560xf32, #tpu.memory_space<hbm>> -> memref<8x2560xf32, #tpu.memory_space<hbm>>
      tpu.wait_dma2 semaphore(%run_scoped3A : memref<!tpu.dma_semaphore, #tpu.memory_space<semaphore_mem>>) src(%arg8 : memref<8x2560xf32, #tpu.memory_space<vmem>>) dst(%dma_wait3A_71 : memref<8x2560xf32, #tpu.memory_space<hbm>>)
      tpu.yield
    }) : () -> ()
    %dma_wait3A_56 = arith.constant 0 : i32
    %dma_wait3A_57 = arith.constant 0 : i32
    %dma_wait3A_58 = tpu.memref_slice %arg3[%dma_wait3A_56, %dma_wait3A_57] : memref<256000x2560xf32, #tpu.memory_space<hbm>> -> memref<8x2560xf32, #tpu.memory_space<hbm>>
    %dma_wait3A_59 = arith.constant 0 : i32
    %dma_wait3A_60 = arith.constant 0 : i32
    %dma_wait3A_61 = tpu.memref_slice %arg3[%dma_wait3A_59, %dma_wait3A_60] : memref<256000x2560xf32, #tpu.memory_space<hbm>> -> memref<8x2560xf32, #tpu.memory_space<hbm>>
    tpu.wait_dma2 semaphore(%arg13 : memref<!tpu.dma_semaphore, #tpu.memory_space<semaphore_mem>>) src(%dma_wait3A_61 : memref<8x2560xf32, #tpu.memory_space<hbm>>) dst(%arg9 : memref<8x2560xf32, #tpu.memory_space<vmem>>)
    %add3A_62 = arith.constant 504 : i32
    %add3A_63 = arith.addi %mul3A_2, %add3A_62 : i32
    "tpu.region"() ({
      %run_scoped3A = tpu.sem_alloc : memref<!tpu.dma_semaphore, #tpu.memory_space<semaphore_mem>>
      %dma_start3A_64 = arith.constant 0 : i32
      %dma_start3A_65 = tpu.memref_slice %arg4[%add3A_63, %dma_start3A_64] : memref<16384x2560xf32, #tpu.memory_space<hbm>> -> memref<8x2560xf32, #tpu.memory_space<hbm>>
      %dma_start3A_66 = arith.constant 0 : i32
      %dma_start3A_67 = tpu.memref_slice %arg4[%add3A_63, %dma_start3A_66] : memref<16384x2560xf32, #tpu.memory_space<hbm>> -> memref<8x2560xf32, #tpu.memory_space<hbm>>
      tpu.enqueue_dma source(%arg9 : memref<8x2560xf32, #tpu.memory_space<vmem>>) target(%dma_start3A_67 : memref<8x2560xf32, #tpu.memory_space<hbm>>) target_semaphore(%run_scoped3A : memref<!tpu.dma_semaphore, #tpu.memory_space<semaphore_mem>>)
      %dma_wait3A_68 = arith.constant 0 : i32
      %dma_wait3A_69 = tpu.memref_slice %arg4[%add3A_63, %dma_wait3A_68] : memref<16384x2560xf32, #tpu.memory_space<hbm>> -> memref<8x2560xf32, #tpu.memory_space<hbm>>
      %dma_wait3A_70 = arith.constant 0 : i32
      %dma_wait3A_71 = tpu.memref_slice %arg4[%add3A_63, %dma_wait3A_70] : memref<16384x2560xf32, #tpu.memory_space<hbm>> -> memref<8x2560xf32, #tpu.memory_space<hbm>>
      tpu.wait_dma2 semaphore(%run_scoped3A : memref<!tpu.dma_semaphore, #tpu.memory_space<semaphore_mem>>) src(%arg9 : memref<8x2560xf32, #tpu.memory_space<vmem>>) dst(%dma_wait3A_71 : memref<8x2560xf32, #tpu.memory_space<hbm>>)
      tpu.yield
    }) : () -> ()
    return
  }
}

</mosaic_0001>

<sc_bundles>
// kernel: kernel.3.cloned.1.call-start
scs
__scs_entry_jumppad:
0x0: {  	(pc) =	sbr.rel $0x88, $3  }
0x1: {  	(tag) =	ssettag $0x0;
	lr =	simm.s32 $0x1  }
0x2: {  	[smem:$0x3F9F] =	sst lr;
	_ =	strace $0xD0000000  }
0x3: {  	_ = 	snop  }
0x4: {  	_ = 	snop  }
0x5: {  	_ = 	snop  }
0x6: {  	_ = 	snop  }
0x7: {  	_ = 	snop  }
__scs_overlays_trampoline_lowered:
0x8: {  	[smem:$0x3FAE] =	sst s0  }
0x9: {  	[smem:$0x3FAF] =	sst s1  }
0xa: {  	[smem:$0x3FB0] =	sst s2  }
0xb: {  	[smem:$0x3FB1] =	sst s3  }
0xc: {  	[smem:$0x3FB2] =	sst s4  }
0xd: {  	[smem:$0x3FB3] =	sst s5  }
0xe: {  	[smem:$0x3FB4] =	sst s6  }
0xf: {  	[smem:$0x3FB5] =	sst s7  }
0x10: {  	[smem:$0x3FB6] =	sst s8  }
0x11: {  	[smem:$0x3FB7] =	sst s9;
	s0 =	simm.s32 @!p0 $0x0  }
0x12: {  	s1 =	sld [smem:$0x3F9D];
	s0 =	simm.s32 @p0 $0x1  }
0x13: {  	[smem:$0x3FB8] =	sst s0;
	s0 =	simm.s32 @!p1 $0x0  }
0x14: {  	s2 =	sld [smem:$0x3F9C];
	s0 =	simm.s32 @p1 $0x1  }
0x15: {  	[smem:$0x3FB9] =	sst s0;
	s0 =	simm.s32 @!p2 $0x0  }
0x16: {  	s3 =	sld [smem:$0x3FDB];
	s0 =	simm.s32 @p2 $0x1  }
0x17: {  	s4 =	simm.s32 $0x1BF5;
	[smem:$0x3FBB] =	sst s0  }
0x18: {  	s0 =	sld [smem:$0x3F9E];
	_ =	swait.ge [sflag:s4], $0x0  }
0x19: {  	s7 =	sld [smem:$0x3F9F]  }
0x1a: {  	s8 =	sadd.s32 $0xFFFFE003, lr  }
0x1b: {  	s9 =	sadd.s32 $0xFFFFFEF7, lr;
	s5 =	simm.s32 $0xFFFFFFFF;
	p2 =	slt.u32 s8, $0xFFFFF086  }
0x1c: {  	p1 =	slt.u32 s9, $0xF7A;
	s5 =	simm.s32 @!p2 $0x0  }
0x1d: {  	s5 =	simm.s32 @p1 $0x1;
	p0 =	seq.s32 s7, s2  }
0x1e: {  	s7 =	smul.u32 @!p0 $0xF7A, s2;
	p2 =	seq.s32 @!p0 s5, $0x0  }
0x1f: {  	s9 =	smul.u32 $0xF7A, s1;
	s8 =	simm.s32 @!p0 $0x1BF5;
	p2 =	por !p2, p0  }
0x20: {  	[sflag:s8] =	ssyncset.s32 @!p0 $0xFFFFF086;
	s6 =	sadd.s32 @!p0 s3, s7;
	s7 =	simm.s32 @!p0 $0x108  }
0x21: {  	s3 =	sadd.s32 s3, s9;
	s6 =	sadd.s32 @!p0 $0x88, s6;
	s7 =	simm.s32 @p2 $0x1082  }
0x22: {  	[simem:s7], [sflag:s8] =	dma.local @!p0 [hbm:s6], $0xF7A  }
0x23: {  	s9 =	sor.u32 $0xD0000000, s2;
	s6 =	simm.s32 $0x108;
	_ =	swait.ge @!p0 [sflag:s8], $0x0  }
0x24: {  	s3 =	sadd.s32 $0x88, s3;
	s6 =	simm.s32 @!p1 $0x1082;
	[sflag:s4] =	ssyncset.s32 $0xFFFFF086  }
0x25: {  	[simem:s6], [sflag:s4] =	dma.local [hbm:s3], $0xF7A  }
0x26: {  	[smem:$0x3F9F] =	sst s1;
	(tag) =	ssettag s2;
	_ =	strace s9  }
0x27: {  	s1 =	sld [smem:$0x3FAF]  }
0x28: {  	s2 =	sld [smem:$0x3FB0]  }
0x29: {  	s4 =	sld [smem:$0x3FB2]  }
0x2a: {  	p0 =	seq.s32 s5, $0x0;
	s5 =	sld [smem:$0x3FB3]  }
0x2b: {  	s6 =	sld [smem:$0x3FB4]  }
0x2c: {  	s7 =	sld [smem:$0x3FB5]  }
0x2d: {  	s3 =	simm.s32 $0x108;
	s8 =	sld [smem:$0x3FB6]  }
0x2e: {  	s3 =	simm.s32 @!p0 $0x1082;
	s9 =	sld [smem:$0x3FB7]  }
0x2f: {  	lr =	sadd.s32 s0, s3;
	s0 =	sld [smem:$0x3FAE]  }
0x30: {  	s3 =	sld [smem:$0x3FB1]  }
0x31: {  	[smem:$0x3FBA] =	sst s10  }
0x32: {  	s10 =	sld [smem:$0x3FB8];
	_ =	sdelay $0x3  }
0x33: {  	p0 =	seq.s32 s10, $0x1;
	s10 =	sld [smem:$0x3FBA];
	_ =	sdelay $0x3  }
0x34: {  	[smem:$0x3FBA] =	sst s10  }
0x35: {  	s10 =	sld [smem:$0x3FB9];
	_ =	sdelay $0x3  }
0x36: {  	p1 =	seq.s32 s10, $0x1;
	s10 =	sld [smem:$0x3FBA];
	_ =	sdelay $0x3  }
0x37: {  	[smem:$0x3FBA] =	sst s10  }
0x38: {  	s10 =	sld [smem:$0x3FBB]  }
0x39: {  	_ = 	snop;
	(pc) =	sbr.ind lr, $3  }
0x3a: {  	_ = 	snop  }
0x3b: {  	_ = 	snop  }
0x3c: {  	p2 =	seq.s32 s10, $0x1;
	s10 =	sld [smem:$0x3FBA]  }
0x3d: {  	_ =	shalt  }
0x3e: {  	_ =	shalt  }
0x3f: {  	_ =	shalt  }
0x40: {  	_ =	shalt  }
0x41: {  	_ =	shalt  }
0x42: {  	_ =	shalt  }
0x43: {  	_ =	shalt  }
0x44: {  	_ =	shalt  }
0x45: {  	_ =	shalt  }
0x46: {  	_ =	shalt  }
0x47: {  	_ =	shalt  }
0x48: {  	_ =	shalt  }
0x49: {  	_ =	shalt  }
0x4a: {  	_ =	shalt  }
0x4b: {  	_ =	shalt  }
0x4c: {  	_ =	shalt  }
0x4d: {  	_ =	shalt  }
0x4e: {  	_ =	shalt  }
0x4f: {  	_ =	shalt  }
0x50: {  	_ =	shalt  }
0x51: {  	_ =	shalt  }
0x52: {  	_ =	shalt  }
0x53: {  	_ =	shalt  }
0x54: {  	_ =	shalt  }
0x55: {  	_ =	shalt  }
0x56: {  	_ =	shalt  }
0x57: {  	_ =	shalt  }
0x58: {  	_ =	shalt  }
0x59: {  	_ =	shalt  }
0x5a: {  	_ =	shalt  }
0x5b: {  	_ =	shalt  }
0x5c: {  	_ =	shalt  }
0x5d: {  	_ =	shalt  }
0x5e: {  	_ =	shalt  }
0x5f: {  	_ =	shalt  }
0x60: {  	_ =	shalt  }
0x61: {  	_ =	shalt  }
0x62: {  	_ =	shalt  }
0x63: {  	_ =	shalt  }
0x64: {  	_ =	shalt  }
0x65: {  	_ =	shalt  }
0x66: {  	_ =	shalt  }
0x67: {  	_ =	shalt  }
0x68: {  	_ =	shalt  }
0x69: {  	_ =	shalt  }
0x6a: {  	_ =	shalt  }
0x6b: {  	_ =	shalt  }
0x6c: {  	_ =	shalt  }
0x6d: {  	_ =	shalt  }
0x6e: {  	_ =	shalt  }
0x6f: {  	_ =	shalt  }
0x70: {  	_ =	shalt  }
0x71: {  	_ =	shalt  }
0x72: {  	_ =	shalt  }
0x73: {  	_ =	shalt  }
0x74: {  	_ =	shalt  }
0x75: {  	_ =	shalt  }
0x76: {  	_ =	shalt  }
0x77: {  	_ =	shalt  }
0x78: {  	_ =	shalt  }
0x79: {  	_ =	shalt  }
0x7a: {  	_ =	shalt  }
0x7b: {  	_ =	shalt  }
0x7c: {  	_ =	shalt  }
0x7d: {  	_ =	shalt  }
0x7e: {  	_ =	shalt  }
0x7f: {  	_ =	shalt  }
0x80: {  	_ =	shalt  }
0x81: {  	_ =	shalt  }
0x82: {  	_ =	shalt  }
0x83: {  	_ =	shalt  }
0x84: {  	_ =	shalt  }
0x85: {  	_ =	shalt  }
0x86: {  	_ =	shalt  }
0x87: {  	_ =	shalt  }
.Lfunc_end0:
.L_simem_size_0:
called_computation_lowered:
.L_overlay_start_0:
0x88: {  	s2 =	sld [smem:$0x3FD9]  }
0x89: {  	s3 =	sld [smem:$0x3FFE];
	_ =	sdelay $0x1  }
0x8a: {  	s1 =	srdreg.scid  }
0x8b: {  	s0 =	sand.u32 $0x1, s1  }
0x8c: {  	s17 =	sshll.u32 s0, $0xA;
	s2 =	sadd.s32 s3, s2  }
0x8d: {  	s2 =	sadd.s32 s2, s17  }
0x8e: {  	[smem:$0x3FC6] =	sst s2  }
0x8f: {  	_ = 	snop  }
0x90: {  	s2 =	sld [smem:$0x3FC8]  }
0x91: {  	s18 =	sld [smem:$0x3FD0];
	(tm) =	ssettm $0x1  }
0x92: {  	s4 =	sld [smem:$0x3FFB];
	_ =	sdelay $0x3  }
0x93: {  	_ =	strace s4  }
0x94: {  	s4 =	sld [smem:$0x3FFC];
	_ =	sdelay $0x3  }
0x95: {  	_ =	strace s4  }
0x96: {  	s4 =	sld [smem:$0x3FFD];
	_ =	sdelay $0x3  }
0x97: {  	_ =	strace s4  }
0x98: {  	_ =	strace $0x8FFFFFFF  }
0x99: {  	s19 =	sld [smem:$0x3FDB];
	_ =	sdelay $0x1  }
0x9a: {  	s5 =	simm.s32 $_scs_section_size  }
0x9b: {  	s6 =	simm.s32 $_size__tile_overlayer_lowered;
	s7 =	simm.s32 $_tile_overlayer_lowered  }
0x9c: {  	s22 =	simm.s32 $0x1BFF;
	s21 =	sshll.u32 s7, $0x1;
	s4 =	sadd.s32 s5, s19  }
0x9d: {  	s8 =	simm.s32 $0x0;
	s20 =	sshll.u32 s6, $0x1;
	s6 =	sadd.s32 s21, s4  }
0x9e: {  	[timem:s8], [sflag:s22] =	dma.local [hbm:s6], s20  }
0x9f: {  	_ =	swait.ge [sflag:s22], s20  }
0xa0: {  	s5 =	ssub.s32 $0x0, s20;
	[sflag:s22] =	ssyncset.done $0x0  }
0xa1: {  	[sflag:s22] =	ssyncadd.s32 s5;
	_ =	sdelay $0x1  }
0xa2: {  	s23 =	simm.s32 $0x1B8B  }
0xa3: {  	_ =	swait.ge [sflag:s23], $0x1  }
0xa4: {  	[sflag:s23] =	ssyncset.done $0x0  }
0xa5: {  	s25 =	simm.s32 $0x1B8E;
	s24 =	sld [smem:$0x3FFE];
	[sflag:s23] =	ssyncadd.s32 $0xFFFFFFFF  }
0xa6: {  	s26 =	simm.s32 $execute0_lowered;
	[smem:$0x3FD2] =	sst s25  }
0xa7: {  	s6 =	sshll.u32 s26, $0x1;
	_ =	strace $0x80000046;
	[dreg:$0x1] =	wrdreg $0xFFFFFFFF  }
0xa8: {  	s28 =	simm.s32 $_size_execute0_lowered;
	s4 =	sadd.s32 s4, s6;
	[dreg:$0x0] =	wrdreg $0x0  }
0xa9: {  	s6 =	sshll.u32 s28, $0x1;
	[dreg:$0x2] =	wrdreg s4  }
0xaa: {  	[dreg:$0x3] =	wrdreg s6  }
0xab: {  	[dreg:$0x4] =	wrdreg $0xC0  }
0xac: {  	_ =	task [dreg:s8], $0x5FFFF  }
0xad: {  	[dreg:$0x1] =	wrdreg $0xFFFFFFFF  }
0xae: {  	[dreg:$0x0] =	wrdreg $0x60  }
0xaf: {  	[dreg:$0x2] =	wrdreg s24  }
0xb0: {  	[dreg:$0x3] =	wrdreg s2  }
0xb1: {  	[dreg:$0x4] =	wrdreg s18  }
0xb2: {  	[dreg:$0x5] =	wrdreg $0x9  }
0xb3: {  	_ =	task.clear_ibuf [dreg:s8], $0x6FFFF;
	_ =	strace $0x90000046  }
0xb4: {  	s29 =	simm.s32 $0x9;
	_ =	strace $0x80000048  }
0xb5: {  	_ =	swait.ge [sflag:s29], $0x1  }
0xb6: {  	[sflag:s29] =	ssyncadd.s32 $0xFFFFFFFF  }
0xb7: {  	_ =	strace $0x90000048  }
0xb8: {  	_ =	sfence  }
0xb9: {  	s30 =	sld [smem:$0x0];
	_ =	sdelay $0x2  }
0xba: {  	s31 =	sshll.u32 s1, $0xD;
	s1 =	sshrl.u32 s1, $0x2  }
0xbb: {  	s3 =	sand.u32 $0x4000, s31;
	s1 =	sadd.s32 s1, s30  }
0xbc: {  	s0 =	sor.u32 s3, s0;
	s1 =	sshll.u32 s1, $0x11  }
0xbd: {  	s0 =	sor.u32 s1, s0  }
0xbe: {  	s0 =	sadd.s32 $0x8F2B, s0  }
0xbf: {  	[sflag:s0] =	ssyncadd.remote.s32 $0x1  }
0xc0: {  	_ =	sfence.sel $0xFFFF  }
0xc1: {  	[dreg:$0x0] =	wrdreg $0xFFFFFFFF;
	(pc) =	sbr.abs _section_cstart, $3  }
0xc2: {  	[dreg:$0x1] =	wrdreg $0xFFFFFFFF  }
0xc3: {  	_ =	task.clear_ibuf [dreg:s8], $0x2FFFF;
	_ =	strace $0x9FFFFFFF  }
0xc4: {  	(tm) =	ssettm $0x7FFFFFFF  }
0xc5: {  	_ =	shalt  }
tec
execute0_lowered:
.L_overlay_start_1:
0x0: {  	(tag) =	ssettag $0x1  }
0x1: {  	s0 =	rddreg [dreg:$0x0]  }
0x2: {  	s1 =	srdreg.scid;
	s2 =	rddreg [dreg:$0x1]  }
0x3: {  	s3 =	stileid.u32;
	s4 =	rddreg [dreg:$0x2];
	s19 =	simm.s32 $0x5  }
0x4: {  	s16 =	simm.s32 $0x1A00;
	s17 =	simm.s32 $0x2200;
	s18 =	simm.s32 $0x2A00  }
0x5: {  	s21 =	simm.s32 $0x3200;
	s20 =	simm.s32 $0x4A00;
	s31 =	simm.s32 $0x6200  }
0x6: {  	s28 =	simm.s32 $0x2;
	s29 =	simm.s32 $0x3;
	s30 =	simm.s32 $0x4  }
0x7: {  	s1 =	sand.u32 $0x1, s1;
	s3 =	sshll.u32 s3, $0xA;
	s6 =	sadd.s32 $0x200, s2  }
0x8: {  	s7 =	sadd.s32 $0x300, s2;
	s8 =	sadd.s32 $0x400, s2;
	s9 =	sadd.s32 $0x500, s2  }
0x9: {  	s10 =	sadd.s32 $0x600, s2;
	s11 =	sadd.s32 $0x700, s2;
	s5 =	sshll.u32 s1, $0x9  }
0xa: {  	s12 =	sadd.s32 $0x800, s2;
	s1 =	ssub.s32 $0x2, s1;
	s5 =	sor.u32 s5, s3  }
0xb: {  	s3 =	simm.s32 $0x0;
	s22 =	sshrl.u32 s1, $0x1;
	s13 =	sshrl.u32 s5, $0x3  }
0xc: {  	[smem:$0x7FF] =	sst s3;
	s1 =	ssub.s32 s1, s22;
	s5 =	sadd.s32 $0x100, s2  }
0xd: {  	s22 =	simm.s32 $0x5200;
	s0 =	sadd.s32 s13, s0;
	s23 =	smul.u32 $0x5000, s13  }
0xe: {  	_ =	strace $0x80000047;
	s14 =	smul.u32 $0xA00, s13;
	s0 =	sadd.s32 $0x400, s0  }
0xf: {  	s1 =	smax.u32 s1, $0x1;
	[dreg:$0x5] =	wrdreg s0;
	s0 =	sshrl.u32 s23, $0x3  }
0x10: {  	[dreg:$0xa] =	wrdreg s1;
	s26 =	sadd.s32 s14, s4;
	s0 =	sadd.s32 s4, s0  }
0x11: {  	s13 =	sadd.s32 $0x900, s2;
	[dreg:$0x4] =	wrdreg s26;
	s15 =	sadd.s32 $0x25800, s0  }
0x12: {  	s1 =	simm.s32 $0x0;
	s24 =	sadd.s32 $0x26200, s0;
	[dreg:$0x6] =	wrdreg s15  }
0x13: {  	s14 =	simm.s32 $0x1200;
	s25 =	sadd.s32 $0x26C00, s0;
	[dreg:$0x7] =	wrdreg s24  }
0x14: {  	v0 =	vlaneseq.u32;
	s23 =	simm.s32 $0x3A00;
	s0 =	sadd.s32 $0x27600, s0;
	[dreg:$0x8] =	wrdreg s25  }
0x15: {  	v1 =	vshrl.u32 v0, $0x3;
	s4 =	simm.s32 $0x5A00;
	s26 =	simm.s32 $0x1;
	[dreg:$0x9] =	wrdreg s0  }
0x16: {  	vm0 =	vmmov $0xffff;
	v0 =	vand.u32 $0x7, v0;
	v1 =	vmul.u32 $0x8, v1;
	s25 =	simm.s32 $0x200;
	s15 =	simm.s32 $0xA00;
	s24 =	simm.s32 $0x4200  }
.LBB2_1:
0x17: {  	[dreg:$0xb] =	wrdreg s1  }
0x18: {  	s0 =	rddreg [dreg:$0x5]  }
0x19: {  	[tilespmem:s3], [sflag:$0x5] =	stream.linear.gather [hbm4b:s0+s3], $0x200, $0x38;
	[tilespmem:$0x14200] =	vst v63  }
0x1a: {  	_ =	swait.ge [sflag:s19], $0x200  }
0x1b: {  	[sflag:s19] =	ssyncset.done $0x0  }
0x1c: {  	s1 =	simm.s32 $0x40;
	s0 =	simm.s32 $0x0;
	[sflag:s19] =	ssyncadd.s32 $0xFFFFFE00  }
.LBB2_2:
0x1d: {  	p0 =	sne.s32 s1, $0x7C0;
	v2 =	vld [tilespmem:s0+$0x0];
	_ =	sdelay $0x3  }
.Ltmp0:
0x1e: {  	(pc) =	sbr.rel @p0 .LBB2_2-.Ltmp0, $4  }
0x1f: {  	vm1 =	vgt.s32 v2, $0x0  }
0x20: {  	v2 =	vnsel vm1, $0x0, v2  }
0x21: {  	v2 =	vmin.u32 v2, $0x3E7FF  }
0x22: {  	[tilespmem:s0+$0x0] =	vst v2;
	s0 =	sshra.s32 s1, $0x2;
	s1 =	sadd.s32 $0x40, s1  }
0x23: {  	v2 =	vld [tilespmem:s0+$0x0];
	_ =	sdelay $0x4  }
0x24: {  	vm1 =	vgt.s32 v2, $0x0  }
0x25: {  	v2 =	vnsel vm1, $0x0, v2  }
0x26: {  	v2 =	vmin.u32 v2, $0x3E7FF  }
0x27: {  	[tilespmem:s0+$0x0] =	vst v2  }
0x28: {  	v2 =	vld.msk [tilespmem:$0x0], $0xff;
	_ =	sdelay $0x4  }
0x29: {  	v3 =	vshrl.u32 v2, $0x3  }
0x2a: {  	v3 =	vmul.u32 $0xA0, v3  }
0x2b: {  	v2 =	vand.u32 $0x7, v2  }
0x2c: {  	v2 =	vor.u32 v2, v3  }
0x2d: {  	v2 =	vperm.xlane v2, v0;
	_ =	sdelay $0x1  }
0x2e: {  	v2 =	vadd.s32 v1, v2;
	_ =	sdelay $0x3  }
0x2f: {  	s1 =	simm.s32 $0x0  }
0x30: {  	[tilespmem:s25], [sflag:$0x1] =	stream.indirect_vreg.gather [hbm4b:s2+s1], $0x80, v2, vm0, $0xb8;
	[tilespmem:$0x14200] =	vst v63  }
0x31: {  	_ = 	snop  }
0x32: {  	[tilespmem:s15], [sflag:$0x1] =	stream.indirect_vreg.gather [hbm4b:s5+s1], $0x80, v2, vm0, $0xb8;
	[tilespmem:$0x14200] =	vst v63  }
0x33: {  	_ = 	snop  }
0x34: {  	[tilespmem:s14], [sflag:$0x1] =	stream.indirect_vreg.gather [hbm4b:s6+s1], $0x80, v2, vm0, $0xb8;
	[tilespmem:$0x14200] =	vst v63  }
0x35: {  	_ = 	snop  }
0x36: {  	[tilespmem:s16], [sflag:$0x1] =	stream.indirect_vreg.gather [hbm4b:s7+s1], $0x80, v2, vm0, $0xb8;
	[tilespmem:$0x14200] =	vst v63  }
0x37: {  	_ = 	snop  }
0x38: {  	[tilespmem:s17], [sflag:$0x1] =	stream.indirect_vreg.gather [hbm4b:s8+s1], $0x80, v2, vm0, $0xb8;
	[tilespmem:$0x14200] =	vst v63  }
0x39: {  	_ = 	snop  }
0x3a: {  	[tilespmem:s18], [sflag:$0x1] =	stream.indirect_vreg.gather [hbm4b:s9+s1], $0x80, v2, vm0, $0xb8;
	[tilespmem:$0x14200] =	vst v63  }
0x3b: {  	_ = 	snop  }
0x3c: {  	[tilespmem:s21], [sflag:$0x1] =	stream.indirect_vreg.gather [hbm4b:s10+s1], $0x80, v2, vm0, $0xb8;
	[tilespmem:$0x14200] =	vst v63  }
0x3d: {  	_ = 	snop  }
0x3e: {  	[tilespmem:s23], [sflag:$0x1] =	stream.indirect_vreg.gather [hbm4b:s11+s1], $0x80, v2, vm0, $0xb8;
	[tilespmem:$0x14200] =	vst v63  }
0x3f: {  	_ = 	snop  }
0x40: {  	[tilespmem:s24], [sflag:$0x1] =	stream.indirect_vreg.gather [hbm4b:s12+s1], $0x80, v2, vm0, $0xb8;
	[tilespmem:$0x14200] =	vst v63  }
0x41: {  	_ = 	snop  }
0x42: {  	[tilespmem:s20], [sflag:$0x1] =	stream.indirect_vreg.gather [hbm4b:s13+s1], $0x80, v2, vm0, $0xb8;
	[tilespmem:$0x14200] =	vst v63  }
0x43: {  	v2 =	vld.msk [tilespmem:$0x8], $0xff;
	_ =	sdelay $0x4  }
0x44: {  	v3 =	vshrl.u32 v2, $0x3  }
0x45: {  	v3 =	vmul.u32 $0xA0, v3  }
0x46: {  	v2 =	vand.u32 $0x7, v2  }
0x47: {  	v2 =	vor.u32 v2, v3  }
0x48: {  	v2 =	vperm.xlane v2, v0;
	_ =	sdelay $0x1  }
0x49: {  	v2 =	vadd.s32 v1, v2;
	_ =	sdelay $0x4  }
0x4a: {  	[tilespmem:s22], [sflag:$0x2] =	stream.indirect_vreg.gather [hbm4b:s2+s1], $0x80, v2, vm0, $0xb8;
	[tilespmem:$0x14200] =	vst v63  }
0x4b: {  	_ = 	snop  }
0x4c: {  	[tilespmem:s4], [sflag:$0x2] =	stream.indirect_vreg.gather [hbm4b:s5+s1], $0x80, v2, vm0, $0xb8;
	[tilespmem:$0x14200] =	vst v63  }
0x4d: {  	_ = 	snop  }
0x4e: {  	[tilespmem:s31], [sflag:$0x2] =	stream.indirect_vreg.gather [hbm4b:s6+s1], $0x80, v2, vm0, $0xb8;
	[tilespmem:$0x14200] =	vst v63  }
0x4f: {  	s23 =	simm.s32 $0x6A00  }
0x50: {  	[tilespmem:s23], [sflag:$0x2] =	stream.indirect_vreg.gather [hbm4b:s7+s1], $0x80, v2, vm0, $0xb8;
	[tilespmem:$0x14200] =	vst v63  }
0x51: {  	s24 =	simm.s32 $0x7200  }
0x52: {  	[tilespmem:s24], [sflag:$0x2] =	stream.indirect_vreg.gather [hbm4b:s8+s1], $0x80, v2, vm0, $0xb8;
	[tilespmem:$0x14200] =	vst v63  }
0x53: {  	s25 =	simm.s32 $0x7A00  }
0x54: {  	[tilespmem:s25], [sflag:$0x2] =	stream.indirect_vreg.gather [hbm4b:s9+s1], $0x80, v2, vm0, $0xb8;
	[tilespmem:$0x14200] =	vst v63  }
0x55: {  	s4 =	simm.s32 $0x8200  }
0x56: {  	[tilespmem:s4], [sflag:$0x2] =	stream.indirect_vreg.gather [hbm4b:s10+s1], $0x80, v2, vm0, $0xb8;
	[tilespmem:$0x14200] =	vst v63  }
0x57: {  	s14 =	simm.s32 $0x8A00  }
0x58: {  	[tilespmem:s14], [sflag:$0x2] =	stream.indirect_vreg.gather [hbm4b:s11+s1], $0x80, v2, vm0, $0xb8;
	[tilespmem:$0x14200] =	vst v63  }
0x59: {  	s16 =	simm.s32 $0x9200  }
0x5a: {  	[tilespmem:s16], [sflag:$0x2] =	stream.indirect_vreg.gather [hbm4b:s12+s1], $0x80, v2, vm0, $0xb8;
	[tilespmem:$0x14200] =	vst v63  }
0x5b: {  	s17 =	simm.s32 $0x9A00  }
0x5c: {  	[tilespmem:s17], [sflag:$0x2] =	stream.indirect_vreg.gather [hbm4b:s13+s1], $0x80, v2, vm0, $0xb8;
	[tilespmem:$0x14200] =	vst v63  }
0x5d: {  	v2 =	vld.msk [tilespmem:$0x10], $0xff;
	_ =	sdelay $0x4  }
0x5e: {  	v3 =	vshrl.u32 v2, $0x3  }
0x5f: {  	v3 =	vmul.u32 $0xA0, v3  }
0x60: {  	v2 =	vand.u32 $0x7, v2  }
0x61: {  	v2 =	vor.u32 v2, v3  }
0x62: {  	v2 =	vperm.xlane v2, v0;
	_ =	sdelay $0x1  }
0x63: {  	v2 =	vadd.s32 v1, v2;
	_ =	sdelay $0x3  }
0x64: {  	s20 =	simm.s32 $0xA200  }
0x65: {  	[tilespmem:s20], [sflag:$0x3] =	stream.indirect_vreg.gather [hbm4b:s2+s1], $0x80, v2, vm0, $0xb8;
	[tilespmem:$0x14200] =	vst v63  }
0x66: {  	s18 =	simm.s32 $0xAA00  }
0x67: {  	[tilespmem:s18], [sflag:$0x3] =	stream.indirect_vreg.gather [hbm4b:s5+s1], $0x80, v2, vm0, $0xb8;
	[tilespmem:$0x14200] =	vst v63  }
0x68: {  	s21 =	simm.s32 $0xB200  }
0x69: {  	[tilespmem:s21], [sflag:$0x3] =	stream.indirect_vreg.gather [hbm4b:s6+s1], $0x80, v2, vm0, $0xb8;
	[tilespmem:$0x14200] =	vst v63  }
0x6a: {  	s22 =	simm.s32 $0xBA00  }
0x6b: {  	[tilespmem:s22], [sflag:$0x3] =	stream.indirect_vreg.gather [hbm4b:s7+s1], $0x80, v2, vm0, $0xb8;
	[tilespmem:$0x14200] =	vst v63  }
0x6c: {  	s23 =	simm.s32 $0xC200  }
0x6d: {  	[tilespmem:s23], [sflag:$0x3] =	stream.indirect_vreg.gather [hbm4b:s8+s1], $0x80, v2, vm0, $0xb8;
	[tilespmem:$0x14200] =	vst v63  }
0x6e: {  	s24 =	simm.s32 $0xCA00  }
0x6f: {  	[tilespmem:s24], [sflag:$0x3] =	stream.indirect_vreg.gather [hbm4b:s9+s1], $0x80, v2, vm0, $0xb8;
	[tilespmem:$0x14200] =	vst v63  }
0x70: {  	s25 =	simm.s32 $0xD200  }
0x71: {  	[tilespmem:s25], [sflag:$0x3] =	stream.indirect_vreg.gather [hbm4b:s10+s1], $0x80, v2, vm0, $0xb8;
	[tilespmem:$0x14200] =	vst v63  }
0x72: {  	s4 =	simm.s32 $0xDA00  }
0x73: {  	[tilespmem:s4], [sflag:$0x3] =	stream.indirect_vreg.gather [hbm4b:s11+s1], $0x80, v2, vm0, $0xb8;
	[tilespmem:$0x14200] =	vst v63  }
0x74: {  	s14 =	simm.s32 $0xE200  }
0x75: {  	[tilespmem:s14], [sflag:$0x3] =	stream.indirect_vreg.gather [hbm4b:s12+s1], $0x80, v2, vm0, $0xb8;
	[tilespmem:$0x14200] =	vst v63  }
0x76: {  	s16 =	simm.s32 $0xEA00  }
0x77: {  	[tilespmem:s16], [sflag:$0x3] =	stream.indirect_vreg.gather [hbm4b:s13+s1], $0x80, v2, vm0, $0xb8;
	[tilespmem:$0x14200] =	vst v63  }
0x78: {  	v2 =	vld.msk [tilespmem:$0x18], $0xff;
	_ =	sdelay $0x4  }
0x79: {  	v3 =	vshrl.u32 v2, $0x3  }
0x7a: {  	v3 =	vmul.u32 $0xA0, v3  }
0x7b: {  	v2 =	vand.u32 $0x7, v2  }
0x7c: {  	v2 =	vor.u32 v2, v3  }
0x7d: {  	v2 =	vperm.xlane v2, v0;
	_ =	sdelay $0x1  }
0x7e: {  	v2 =	vadd.s32 v1, v2;
	_ =	sdelay $0x3  }
0x7f: {  	s17 =	simm.s32 $0xF200  }
0x80: {  	[tilespmem:s17], [sflag:$0x4] =	stream.indirect_vreg.gather [hbm4b:s2+s1], $0x80, v2, vm0, $0xb8;
	[tilespmem:$0x14200] =	vst v63  }
0x81: {  	s18 =	simm.s32 $0xFA00  }
0x82: {  	[tilespmem:s18], [sflag:$0x4] =	stream.indirect_vreg.gather [hbm4b:s5+s1], $0x80, v2, vm0, $0xb8;
	[tilespmem:$0x14200] =	vst v63  }
0x83: {  	s21 =	simm.s32 $0x10200  }
0x84: {  	[tilespmem:s21], [sflag:$0x4] =	stream.indirect_vreg.gather [hbm4b:s6+s1], $0x80, v2, vm0, $0xb8;
	[tilespmem:$0x14200] =	vst v63  }
0x85: {  	s22 =	simm.s32 $0x10A00  }
0x86: {  	[tilespmem:s22], [sflag:$0x4] =	stream.indirect_vreg.gather [hbm4b:s7+s1], $0x80, v2, vm0, $0xb8;
	[tilespmem:$0x14200] =	vst v63  }
0x87: {  	s23 =	simm.s32 $0x11200  }
0x88: {  	[tilespmem:s23], [sflag:$0x4] =	stream.indirect_vreg.gather [hbm4b:s8+s1], $0x80, v2, vm0, $0xb8;
	[tilespmem:$0x14200] =	vst v63  }
0x89: {  	s24 =	simm.s32 $0x11A00  }
0x8a: {  	[tilespmem:s24], [sflag:$0x4] =	stream.indirect_vreg.gather [hbm4b:s9+s1], $0x80, v2, vm0, $0xb8;
	[tilespmem:$0x14200] =	vst v63  }
0x8b: {  	s25 =	simm.s32 $0x12200  }
0x8c: {  	[tilespmem:s25], [sflag:$0x4] =	stream.indirect_vreg.gather [hbm4b:s10+s1], $0x80, v2, vm0, $0xb8;
	[tilespmem:$0x14200] =	vst v63  }
0x8d: {  	s0 =	simm.s32 $0x38;
	s31 =	simm.s32 $0x200;
	s24 =	simm.s32 $0x12A00  }
0x8e: {  	[tilespmem:s24], [sflag:$0x4] =	stream.indirect_vreg.gather [hbm4b:s11+s1], $0x80, v2, vm0, $0xb8;
	[tilespmem:$0x14200] =	vst v63  }
0x8f: {  	s4 =	simm.s32 $0x5A00;
	s16 =	simm.s32 $0x13200;
	s17 =	simm.s32 $0x6200  }
0x90: {  	[tilespmem:s16], [sflag:$0x4] =	stream.indirect_vreg.gather [hbm4b:s12+s1], $0x80, v2, vm0, $0xb8;
	[tilespmem:$0x14200] =	vst v63  }
0x91: {  	s18 =	simm.s32 $0x13A00;
	s22 =	simm.s32 $0x5200;
	s25 =	simm.s32 $0x4200  }
0x92: {  	[tilespmem:s18], [sflag:$0x4] =	stream.indirect_vreg.gather [hbm4b:s13+s1], $0x80, v2, vm0, $0xb8;
	[tilespmem:$0x14200] =	vst v63  }
.LBB2_4:
0x93: {  	_ =	swait.ge [sflag:s26], $0x5000  }
0x94: {  	s14 =	rddreg [dreg:$0x4];
	[sflag:s26] =	ssyncset.done $0x0  }
0x95: {  	[sflag:s26] =	ssyncadd.s32 $0xFFFFB000;
	s14 =	sadd.s32 s1, s14  }
0x96: {  	[hbm4b:s14+s3] =	stream.linear.scatter [tilespmem:s31], [sflag:$0x5], $0x5000, $0x38;
	[tilespmem:$0x14200] =	vst v63  }
0x97: {  	_ =	swait.ge [sflag:s19], $0x5000  }
0x98: {  	[sflag:s19] =	ssyncset.done $0x0  }
0x99: {  	[sflag:s19] =	ssyncadd.s32 $0xFFFFB000  }
0x9a: {  	v2 =	vld.msk [tilespmem:s0+$0xFFFFFFE8], $0xff;
	_ =	sdelay $0x4  }
0x9b: {  	v3 =	vshrl.u32 v2, $0x3  }
0x9c: {  	v3 =	vmul.u32 $0xA0, v3  }
0x9d: {  	v2 =	vand.u32 $0x7, v2  }
0x9e: {  	v2 =	vor.u32 v2, v3  }
0x9f: {  	v2 =	vperm.xlane v2, v0;
	_ =	sdelay $0x1  }
0xa0: {  	v2 =	vadd.s32 v1, v2;
	_ =	sdelay $0x4  }
0xa1: {  	[tilespmem:s31], [sflag:$0x1] =	stream.indirect_vreg.gather [hbm4b:s2+s3], $0x80, v2, vm0, $0xb8;
	[tilespmem:$0x14200] =	vst v63  }
0xa2: {  	_ = 	snop  }
0xa3: {  	[tilespmem:s15], [sflag:$0x1] =	stream.indirect_vreg.gather [hbm4b:s5+s3], $0x80, v2, vm0, $0xb8;
	[tilespmem:$0x14200] =	vst v63  }
0xa4: {  	s23 =	simm.s32 $0x1200  }
0xa5: {  	[tilespmem:s23], [sflag:$0x1] =	stream.indirect_vreg.gather [hbm4b:s6+s3], $0x80, v2, vm0, $0xb8;
	[tilespmem:$0x14200] =	vst v63  }
0xa6: {  	s23 =	simm.s32 $0x1A00  }
0xa7: {  	[tilespmem:s23], [sflag:$0x1] =	stream.indirect_vreg.gather [hbm4b:s7+s3], $0x80, v2, vm0, $0xb8;
	[tilespmem:$0x14200] =	vst v63  }
0xa8: {  	s23 =	simm.s32 $0x2200  }
0xa9: {  	[tilespmem:s23], [sflag:$0x1] =	stream.indirect_vreg.gather [hbm4b:s8+s3], $0x80, v2, vm0, $0xb8;
	[tilespmem:$0x14200] =	vst v63  }
0xaa: {  	s23 =	simm.s32 $0x2A00  }
0xab: {  	[tilespmem:s23], [sflag:$0x1] =	stream.indirect_vreg.gather [hbm4b:s9+s3], $0x80, v2, vm0, $0xb8;
	[tilespmem:$0x14200] =	vst v63  }
0xac: {  	s23 =	simm.s32 $0x3200  }
0xad: {  	[tilespmem:s23], [sflag:$0x1] =	stream.indirect_vreg.gather [hbm4b:s10+s3], $0x80, v2, vm0, $0xb8;
	[tilespmem:$0x14200] =	vst v63  }
0xae: {  	s23 =	simm.s32 $0x3A00  }
0xaf: {  	[tilespmem:s23], [sflag:$0x1] =	stream.indirect_vreg.gather [hbm4b:s11+s3], $0x80, v2, vm0, $0xb8;
	[tilespmem:$0x14200] =	vst v63  }
0xb0: {  	_ = 	snop  }
0xb1: {  	[tilespmem:s25], [sflag:$0x1] =	stream.indirect_vreg.gather [hbm4b:s12+s3], $0x80, v2, vm0, $0xb8;
	[tilespmem:$0x14200] =	vst v63  }
0xb2: {  	s23 =	simm.s32 $0x4A00  }
0xb3: {  	[tilespmem:s23], [sflag:$0x1] =	stream.indirect_vreg.gather [hbm4b:s13+s3], $0x80, v2, vm0, $0xb8;
	[tilespmem:$0x14200] =	vst v63  }
0xb4: {  	_ =	swait.ge [sflag:s28], $0x5000  }
0xb5: {  	[sflag:s28] =	ssyncset.done $0x0  }
0xb6: {  	s23 =	sadd.s32 $0xA00, s14;
	[sflag:s28] =	ssyncadd.s32 $0xFFFFB000  }
0xb7: {  	[hbm4b:s23+s3] =	stream.linear.scatter [tilespmem:s22], [sflag:$0x5], $0x5000, $0x38;
	[tilespmem:$0x14200] =	vst v63  }
0xb8: {  	_ =	swait.ge [sflag:s19], $0x5000  }
0xb9: {  	[sflag:s19] =	ssyncset.done $0x0  }
0xba: {  	[sflag:s19] =	ssyncadd.s32 $0xFFFFB000  }
0xbb: {  	v2 =	vld.msk [tilespmem:s0+$0xFFFFFFF0], $0xff;
	_ =	sdelay $0x4  }
0xbc: {  	v3 =	vshrl.u32 v2, $0x3  }
0xbd: {  	v3 =	vmul.u32 $0xA0, v3  }
0xbe: {  	v2 =	vand.u32 $0x7, v2  }
0xbf: {  	v2 =	vor.u32 v2, v3  }
0xc0: {  	v2 =	vperm.xlane v2, v0;
	_ =	sdelay $0x1  }
0xc1: {  	v2 =	vadd.s32 v1, v2;
	_ =	sdelay $0x4  }
0xc2: {  	[tilespmem:s22], [sflag:$0x2] =	stream.indirect_vreg.gather [hbm4b:s2+s3], $0x80, v2, vm0, $0xb8;
	[tilespmem:$0x14200] =	vst v63  }
0xc3: {  	_ = 	snop  }
0xc4: {  	[tilespmem:s4], [sflag:$0x2] =	stream.indirect_vreg.gather [hbm4b:s5+s3], $0x80, v2, vm0, $0xb8;
	[tilespmem:$0x14200] =	vst v63  }
0xc5: {  	_ = 	snop  }
0xc6: {  	[tilespmem:s17], [sflag:$0x2] =	stream.indirect_vreg.gather [hbm4b:s6+s3], $0x80, v2, vm0, $0xb8;
	[tilespmem:$0x14200] =	vst v63  }
0xc7: {  	s23 =	simm.s32 $0x6A00  }
0xc8: {  	[tilespmem:s23], [sflag:$0x2] =	stream.indirect_vreg.gather [hbm4b:s7+s3], $0x80, v2, vm0, $0xb8;
	[tilespmem:$0x14200] =	vst v63  }
0xc9: {  	s23 =	simm.s32 $0x7200  }
0xca: {  	[tilespmem:s23], [sflag:$0x2] =	stream.indirect_vreg.gather [hbm4b:s8+s3], $0x80, v2, vm0, $0xb8;
	[tilespmem:$0x14200] =	vst v63  }
0xcb: {  	s23 =	simm.s32 $0x7A00  }
0xcc: {  	[tilespmem:s23], [sflag:$0x2] =	stream.indirect_vreg.gather [hbm4b:s9+s3], $0x80, v2, vm0, $0xb8;
	[tilespmem:$0x14200] =	vst v63  }
0xcd: {  	s23 =	simm.s32 $0x8200  }
0xce: {  	[tilespmem:s23], [sflag:$0x2] =	stream.indirect_vreg.gather [hbm4b:s10+s3], $0x80, v2, vm0, $0xb8;
	[tilespmem:$0x14200] =	vst v63  }
0xcf: {  	s23 =	simm.s32 $0x8A00  }
0xd0: {  	[tilespmem:s23], [sflag:$0x2] =	stream.indirect_vreg.gather [hbm4b:s11+s3], $0x80, v2, vm0, $0xb8;
	[tilespmem:$0x14200] =	vst v63  }
0xd1: {  	s23 =	simm.s32 $0x9200  }
0xd2: {  	[tilespmem:s23], [sflag:$0x2] =	stream.indirect_vreg.gather [hbm4b:s12+s3], $0x80, v2, vm0, $0xb8;
	[tilespmem:$0x14200] =	vst v63  }
0xd3: {  	s23 =	simm.s32 $0x9A00  }
0xd4: {  	[tilespmem:s23], [sflag:$0x2] =	stream.indirect_vreg.gather [hbm4b:s13+s3], $0x80, v2, vm0, $0xb8;
	[tilespmem:$0x14200] =	vst v63  }
0xd5: {  	_ =	swait.ge [sflag:s29], $0x5000  }
0xd6: {  	[sflag:s29] =	ssyncset.done $0x0  }
0xd7: {  	s23 =	sadd.s32 $0x1400, s14;
	[sflag:s29] =	ssyncadd.s32 $0xFFFFB000  }
0xd8: {  	[hbm4b:s23+s3] =	stream.linear.scatter [tilespmem:s20], [sflag:$0x5], $0x5000, $0x38;
	[tilespmem:$0x14200] =	vst v63  }
0xd9: {  	_ =	swait.ge [sflag:s19], $0x5000  }
0xda: {  	[sflag:s19] =	ssyncset.done $0x0  }
0xdb: {  	[sflag:s19] =	ssyncadd.s32 $0xFFFFB000  }
0xdc: {  	v2 =	vld.msk [tilespmem:s0+$0xFFFFFFF8], $0xff;
	_ =	sdelay $0x4  }
0xdd: {  	v3 =	vshrl.u32 v2, $0x3  }
0xde: {  	v3 =	vmul.u32 $0xA0, v3  }
0xdf: {  	v2 =	vand.u32 $0x7, v2  }
0xe0: {  	v2 =	vor.u32 v2, v3  }
0xe1: {  	v2 =	vperm.xlane v2, v0;
	_ =	sdelay $0x1  }
0xe2: {  	v2 =	vadd.s32 v1, v2;
	_ =	sdelay $0x4  }
0xe3: {  	[tilespmem:s20], [sflag:$0x3] =	stream.indirect_vreg.gather [hbm4b:s2+s3], $0x80, v2, vm0, $0xb8;
	[tilespmem:$0x14200] =	vst v63  }
0xe4: {  	s23 =	simm.s32 $0xAA00  }
0xe5: {  	[tilespmem:s23], [sflag:$0x3] =	stream.indirect_vreg.gather [hbm4b:s5+s3], $0x80, v2, vm0, $0xb8;
	[tilespmem:$0x14200] =	vst v63  }
0xe6: {  	s23 =	simm.s32 $0xB200  }
0xe7: {  	[tilespmem:s23], [sflag:$0x3] =	stream.indirect_vreg.gather [hbm4b:s6+s3], $0x80, v2, vm0, $0xb8;
	[tilespmem:$0x14200] =	vst v63  }
0xe8: {  	s23 =	simm.s32 $0xBA00  }
0xe9: {  	[tilespmem:s23], [sflag:$0x3] =	stream.indirect_vreg.gather [hbm4b:s7+s3], $0x80, v2, vm0, $0xb8;
	[tilespmem:$0x14200] =	vst v63  }
0xea: {  	s23 =	simm.s32 $0xC200  }
0xeb: {  	[tilespmem:s23], [sflag:$0x3] =	stream.indirect_vreg.gather [hbm4b:s8+s3], $0x80, v2, vm0, $0xb8;
	[tilespmem:$0x14200] =	vst v63  }
0xec: {  	s23 =	simm.s32 $0xCA00  }
0xed: {  	[tilespmem:s23], [sflag:$0x3] =	stream.indirect_vreg.gather [hbm4b:s9+s3], $0x80, v2, vm0, $0xb8;
	[tilespmem:$0x14200] =	vst v63  }
0xee: {  	s23 =	simm.s32 $0xD200  }
0xef: {  	[tilespmem:s23], [sflag:$0x3] =	stream.indirect_vreg.gather [hbm4b:s10+s3], $0x80, v2, vm0, $0xb8;
	[tilespmem:$0x14200] =	vst v63  }
0xf0: {  	s23 =	simm.s32 $0xDA00  }
0xf1: {  	[tilespmem:s23], [sflag:$0x3] =	stream.indirect_vreg.gather [hbm4b:s11+s3], $0x80, v2, vm0, $0xb8;
	[tilespmem:$0x14200] =	vst v63  }
0xf2: {  	s23 =	simm.s32 $0xE200  }
0xf3: {  	[tilespmem:s23], [sflag:$0x3] =	stream.indirect_vreg.gather [hbm4b:s12+s3], $0x80, v2, vm0, $0xb8;
	[tilespmem:$0x14200] =	vst v63  }
0xf4: {  	s23 =	simm.s32 $0xEA00  }
0xf5: {  	[tilespmem:s23], [sflag:$0x3] =	stream.indirect_vreg.gather [hbm4b:s13+s3], $0x80, v2, vm0, $0xb8;
	[tilespmem:$0x14200] =	vst v63  }
0xf6: {  	_ =	swait.ge [sflag:s30], $0x5000  }
0xf7: {  	[sflag:s30] =	ssyncset.done $0x0  }
0xf8: {  	s21 =	simm.s32 $0xF200;
	s14 =	sadd.s32 $0x1E00, s14;
	[sflag:s30] =	ssyncadd.s32 $0xFFFFB000  }
0xf9: {  	[hbm4b:s14+s3] =	stream.linear.scatter [tilespmem:s21], [sflag:$0x5], $0x5000, $0x38;
	[tilespmem:$0x14200] =	vst v63  }
0xfa: {  	_ =	swait.ge [sflag:s19], $0x5000  }
0xfb: {  	[sflag:s19] =	ssyncset.done $0x0  }
0xfc: {  	[sflag:s19] =	ssyncadd.s32 $0xFFFFB000  }
0xfd: {  	v2 =	vld.msk [tilespmem:s0+$0x0], $0xff;
	_ =	sdelay $0x4  }
0xfe: {  	v3 =	vshrl.u32 v2, $0x3  }
0xff: {  	v3 =	vmul.u32 $0xA0, v3  }
0x100: {  	v2 =	vand.u32 $0x7, v2  }
0x101: {  	v2 =	vor.u32 v2, v3  }
0x102: {  	v2 =	vperm.xlane v2, v0;
	_ =	sdelay $0x1  }
0x103: {  	v2 =	vadd.s32 v1, v2;
	_ =	sdelay $0x3  }
0x104: {  	s14 =	simm.s32 $0xF200  }
0x105: {  	[tilespmem:s14], [sflag:$0x4] =	stream.indirect_vreg.gather [hbm4b:s2+s3], $0x80, v2, vm0, $0xb8;
	[tilespmem:$0x14200] =	vst v63  }
0x106: {  	s23 =	simm.s32 $0xFA00  }
0x107: {  	[tilespmem:s23], [sflag:$0x4] =	stream.indirect_vreg.gather [hbm4b:s5+s3], $0x80, v2, vm0, $0xb8;
	[tilespmem:$0x14200] =	vst v63  }
0x108: {  	s23 =	simm.s32 $0x10200  }
0x109: {  	[tilespmem:s23], [sflag:$0x4] =	stream.indirect_vreg.gather [hbm4b:s6+s3], $0x80, v2, vm0, $0xb8;
	[tilespmem:$0x14200] =	vst v63  }
0x10a: {  	s23 =	simm.s32 $0x10A00  }
0x10b: {  	[tilespmem:s23], [sflag:$0x4] =	stream.indirect_vreg.gather [hbm4b:s7+s3], $0x80, v2, vm0, $0xb8;
	[tilespmem:$0x14200] =	vst v63  }
0x10c: {  	s23 =	simm.s32 $0x11200  }
0x10d: {  	[tilespmem:s23], [sflag:$0x4] =	stream.indirect_vreg.gather [hbm4b:s8+s3], $0x80, v2, vm0, $0xb8;
	[tilespmem:$0x14200] =	vst v63  }
0x10e: {  	s23 =	simm.s32 $0x11A00  }
0x10f: {  	[tilespmem:s23], [sflag:$0x4] =	stream.indirect_vreg.gather [hbm4b:s9+s3], $0x80, v2, vm0, $0xb8;
	[tilespmem:$0x14200] =	vst v63  }
0x110: {  	s23 =	simm.s32 $0x12200  }
0x111: {  	[tilespmem:s23], [sflag:$0x4] =	stream.indirect_vreg.gather [hbm4b:s10+s3], $0x80, v2, vm0, $0xb8;
	[tilespmem:$0x14200] =	vst v63  }
0x112: {  	p0 =	sne.s32 s1, $0x23000  }
0x113: {  	[tilespmem:s24], [sflag:$0x4] =	stream.indirect_vreg.gather [hbm4b:s11+s3], $0x80, v2, vm0, $0xb8;
	[tilespmem:$0x14200] =	vst v63  }
.Ltmp1:
0x114: {  	_ = 	snop;
	(pc) =	sbr.rel @p0 .LBB2_4-.Ltmp1, $4  }
0x115: {  	_ = 	snop  }
0x116: {  	[tilespmem:s16], [sflag:$0x4] =	stream.indirect_vreg.gather [hbm4b:s12+s3], $0x80, v2, vm0, $0xb8;
	[tilespmem:$0x14200] =	vst v63  }
0x117: {  	s1 =	sadd.s32 $0x2800, s1;
	s15 =	simm.s32 $0xA00;
	s0 =	sadd.s32 $0x20, s0  }
0x118: {  	[tilespmem:s18], [sflag:$0x4] =	stream.indirect_vreg.gather [hbm4b:s13+s3], $0x80, v2, vm0, $0xb8;
	[tilespmem:$0x14200] =	vst v63  }
0x119: {  	_ =	swait.ge [sflag:s26], $0x5000  }
0x11a: {  	[sflag:s26] =	ssyncset.done $0x0  }
0x11b: {  	s0 =	rddreg [dreg:$0x6];
	[sflag:s26] =	ssyncadd.s32 $0xFFFFB000  }
0x11c: {  	[hbm4b:s0+s3] =	stream.linear.scatter [tilespmem:s31], [sflag:$0x5], $0x5000, $0x38;
	[tilespmem:$0x14200] =	vst v63  }
0x11d: {  	_ =	swait.ge [sflag:s19], $0x5000  }
0x11e: {  	[sflag:s19] =	ssyncset.done $0x0  }
0x11f: {  	[sflag:s19] =	ssyncadd.s32 $0xFFFFB000  }
0x120: {  	_ =	swait.ge [sflag:s28], $0x5000  }
0x121: {  	[sflag:s28] =	ssyncset.done $0x0  }
0x122: {  	s21 =	rddreg [dreg:$0x7];
	[sflag:s28] =	ssyncadd.s32 $0xFFFFB000  }
0x123: {  	[hbm4b:s21+s3] =	stream.linear.scatter [tilespmem:s22], [sflag:$0x5], $0x5000, $0x38;
	[tilespmem:$0x14200] =	vst v63  }
0x124: {  	_ =	swait.ge [sflag:s19], $0x5000  }
0x125: {  	[sflag:s19] =	ssyncset.done $0x0  }
0x126: {  	[sflag:s19] =	ssyncadd.s32 $0xFFFFB000  }
0x127: {  	_ =	swait.ge [sflag:s29], $0x5000  }
0x128: {  	[sflag:s29] =	ssyncset.done $0x0  }
0x129: {  	s23 =	rddreg [dreg:$0x8];
	[sflag:s29] =	ssyncadd.s32 $0xFFFFB000  }
0x12a: {  	[hbm4b:s23+s3] =	stream.linear.scatter [tilespmem:s20], [sflag:$0x5], $0x5000, $0x38;
	[tilespmem:$0x14200] =	vst v63  }
0x12b: {  	_ =	swait.ge [sflag:s19], $0x5000  }
0x12c: {  	[sflag:s19] =	ssyncset.done $0x0  }
0x12d: {  	[sflag:s19] =	ssyncadd.s32 $0xFFFFB000  }
0x12e: {  	_ =	swait.ge [sflag:s30], $0x5000  }
0x12f: {  	[sflag:s30] =	ssyncset.done $0x0  }
0x130: {  	s24 =	rddreg [dreg:$0x9];
	[sflag:s30] =	ssyncadd.s32 $0xFFFFB000  }
0x131: {  	[hbm4b:s24+s3] =	stream.linear.scatter [tilespmem:s14], [sflag:$0x5], $0x5000, $0x38;
	[tilespmem:$0x14200] =	vst v63  }
0x132: {  	_ =	swait.ge [sflag:s19], $0x5000  }
0x133: {  	s1 =	rddreg [dreg:$0xb]  }
0x134: {  	s25 =	rddreg [dreg:$0xa];
	s1 =	sadd.s32 $0x1, s1  }
0x135: {  	p0 =	sne.s32 s1, s25  }
.Ltmp2:
0x136: {  	s16 =	simm.s32 $0x1A00;
	s17 =	simm.s32 $0x2200;
	(pc) =	sbr.rel @p0 .LBB2_1-.Ltmp2, $4  }
0x137: {  	s18 =	simm.s32 $0x2A00;
	s4 =	simm.s32 $0x5A00;
	s31 =	simm.s32 $0x6200  }
0x138: {  	s21 =	simm.s32 $0x3200;
	s22 =	simm.s32 $0x5200;
	s23 =	simm.s32 $0x3A00  }
0x139: {  	s20 =	simm.s32 $0x4A00;
	s14 =	simm.s32 $0x1200;
	[sflag:s19] =	ssyncset.done $0x0  }
0x13a: {  	s24 =	simm.s32 $0x4200;
	[sflag:s19] =	ssyncadd.s32 $0xFFFFB000;
	s25 =	simm.s32 $0x200  }
0x13b: {  	_ =	sfence.sel $0x180000  }
0x13c: {  	[bflag:$0x0] =	sbarrier.arrive $0xFFFF  }
0x13d: {  	_ =	strace $0x90000047  }
0x13e: {  	s0 =	stileid.u32;
	[bflag:$0x2] =	sbarrier.arrive $0xFFFF  }
0x13f: {  	p0 =	sne.s32 s0, $0x0;
	s0 =	rddreg [dreg:$0x3]  }
0x140: {  	s0 =	sadd.s32 @!p0 $0x100000, s0  }
0x141: {  	[sflag:s0] =	ssyncadd.tile.s32 @!p0 $0x1;
	_ =	shalt  }
.Lfunc_end2:
_tile_overlayer_lowered:
.L_overlay_start_2:
0x142: {  	(tag) =	ssettag $0x2  }
0x143: {  	s0 =	rddreg [dreg:$0x0];
	s2 =	stileid.u32  }
0x144: {  	s1 =	rddreg [dreg:$0x1];
	p0 =	sne.s32 s2, $0x0  }
0x145: {  	s3 =	rddreg [dreg:$0x2];
	[bflag:$0x3] =	sbarrier.arrive $0xFFFF;
	s2 =	simm.s32 @!p0 $0x1C05  }
0x146: {  	[timem:s3], [sflag:s2] =	dma.local @!p0 [hbm:s0], s1  }
0x147: {  	s0 =	simm.s32 @!p0 $0x5  }
0x148: {  	_ =	swait.ge @!p0 [sflag:s0], s1  }
0x149: {  	s1 =	ssub.s32 @!p0 $0x0, s1;
	[sflag:s0] =	ssyncset.done @!p0 $0x0  }
0x14a: {  	[sflag:s0] =	ssyncadd.s32 @!p0 s1  }
0x14b: {  	[bflag:$0x3] =	sbarrier.arrive $0xFFFF  }
0x14c: {  	_ =	shalt  }

</sc_bundles>
